<compile_context>
chip_gen: v7x
topology: tpu7x:2x2x1
jax: 0.10.2.dev20260603
libtpu: 0.0.44.dev20260713+nightly
codegen_flags: <defaults>
</compile_context>

<pallas_src>
import functools

import jax
import jax.numpy as jnp
from jax import lax
from jax.experimental import pallas as pl
from jax.experimental.pallas import tpu as pltpu
from jax.experimental.pallas import tpu_sc as plsc

NC = 2
NS = 16
NW = NC * NS
K = 128


def _mesh():
    return plsc.VectorSubcoreMesh(core_axis_name="c", subcore_axis_name="s",
                                  num_cores=NC, num_subcores=NS)


def _make_deg_kernel(R, NCH, rps):

    @functools.partial(
        pl.kernel,
        out_type=jax.ShapeDtypeStruct((NC, R, 16), jnp.float32),
        mesh=_mesh(),
        scratch_types=[
            pltpu.VMEM((NCH, K), jnp.int32),
            pltpu.VMEM((K, 16), jnp.float32),
            pltpu.VMEM_SHARED((R, 16), jnp.float32),
        ],
        compiler_params=pltpu.CompilerParams(use_tc_tiling_on_sc=False),
    )
    def deg_k(dst_hbm, zeros_hbm, ones_hbm, out_hbm, dst_v, ones_v, acc_sh):
        c = lax.axis_index("c")
        s = lax.axis_index("s")
        wid = c * NS + s
        pltpu.sync_copy(zeros_hbm, acc_sh.at[pl.ds(s * rps, rps)])
        pltpu.sync_copy(ones_hbm, ones_v)
        pltpu.sync_copy(dst_hbm.at[wid], dst_v)
        plsc.subcore_barrier()

        def step(j, carry):
            pltpu.sync_copy(ones_v, acc_sh.at[dst_v.at[j]], add=True)
            return carry

        lax.fori_loop(0, NCH, step, 0)
        plsc.subcore_barrier()
        pltpu.sync_copy(
            acc_sh.at[pl.ds(s * rps, rps)],
            out_hbm.at[c, pl.ds(s * rps, rps)],
        )

    return deg_k


def _make_agg_kernel(D, R, NCH, rps):

    @functools.partial(
        pl.kernel,
        out_type=jax.ShapeDtypeStruct((NC, R, D), jnp.float32),
        mesh=_mesh(),
        scratch_types=[
            pltpu.VMEM((NCH, K), jnp.int32),
            pltpu.VMEM((NCH, K), jnp.int32),
            pltpu.VMEM((2, K, D), jnp.float32),
            pltpu.VMEM_SHARED((R, D), jnp.float32),
            pltpu.SemaphoreType.DMA,
            pltpu.SemaphoreType.DMA,
        ],
        compiler_params=pltpu.CompilerParams(use_tc_tiling_on_sc=False),
    )
    def agg_k(h_hbm, src_hbm, dst_hbm, zeros_hbm, out_hbm,
              src_v, dst_v, rows_v, acc_sh, sem0, sem1):
        c = lax.axis_index("c")
        s = lax.axis_index("s")
        wid = c * NS + s
        pltpu.sync_copy(zeros_hbm, acc_sh.at[pl.ds(s * rps, rps)])
        pltpu.sync_copy(src_hbm.at[wid], src_v)
        pltpu.sync_copy(dst_hbm.at[wid], dst_v)
        plsc.subcore_barrier()

        pltpu.async_copy(h_hbm.at[src_v.at[0]], rows_v.at[0], sem0)

        def step(j, carry):
            buf = lax.rem(j, 2)
            nbuf = 1 - buf
            pltpu.make_async_copy(h_hbm.at[src_v.at[j]],
                                  rows_v.at[buf], sem0).wait()

            @pl.when(j >= 1)
            def _():
                pltpu.make_async_copy(rows_v.at[nbuf],
                                      acc_sh.at[dst_v.at[j - 1]], sem1).wait()

            @pl.when(j < NCH - 1)
            def _():
                pltpu.async_copy(h_hbm.at[src_v.at[j + 1]],
                                 rows_v.at[nbuf], sem0)

            pltpu.async_copy(rows_v.at[buf], acc_sh.at[dst_v.at[j]], sem1,
                             add=True)
            return carry

        lax.fori_loop(0, NCH, step, 0)
        last = NCH - 1
        pltpu.make_async_copy(rows_v.at[lax.rem(last, 2)],
                              acc_sh.at[dst_v.at[last]], sem1).wait()
        plsc.subcore_barrier()
        pltpu.sync_copy(
            acc_sh.at[pl.ds(s * rps, rps)],
            out_hbm.at[c, pl.ds(s * rps, rps)],
        )

    return agg_k


def _tc_matmul(x, W, bn):
    n, d_in = x.shape
    d_out = W.shape[1]

    def mm(x_ref, w_ref, o_ref):
        o_ref[...] = jnp.dot(x_ref[...], w_ref[...],
                             preferred_element_type=jnp.float32)

    return pl.pallas_call(
        mm,
        grid=(n // bn,),
        in_specs=[
            pl.BlockSpec((bn, d_in), lambda i: (i, 0)),
            pl.BlockSpec((d_in, d_out), lambda i: (0, 0)),
        ],
        out_specs=pl.BlockSpec((bn, d_out), lambda i: (i, 0)),
        out_shape=jax.ShapeDtypeStruct((n, d_out), jnp.float32),
    )(x, W)


def _tc_scale(d0, d1, h1, bn):
    n, d = h1.shape

    def body(d0_ref, d1_ref, h1_ref, dis_ref, h1s_ref):
        deg = d0_ref[...] + d1_ref[...] + 1.0
        dis = lax.rsqrt(deg)
        dis_ref[...] = dis
        h1s_ref[...] = dis * h1_ref[...]

    return pl.pallas_call(
        body,
        grid=(n // bn,),
        in_specs=[
            pl.BlockSpec((bn, 1), lambda i: (i, 0)),
            pl.BlockSpec((bn, 1), lambda i: (i, 0)),
            pl.BlockSpec((bn, d), lambda i: (i, 0)),
        ],
        out_specs=[
            pl.BlockSpec((bn, 1), lambda i: (i, 0)),
            pl.BlockSpec((bn, d), lambda i: (i, 0)),
        ],
        out_shape=[
            jax.ShapeDtypeStruct((n, 1), jnp.float32),
            jax.ShapeDtypeStruct((n, d), jnp.float32),
        ],
    )(d0, d1, h1)


def _tc_layer2(p0, p1, h1s, dis, b1, W2, bn):
    n, d = h1s.shape
    d_out = W2.shape[1]

    def body(p0_ref, p1_ref, h1s_ref, dis_ref, b1_ref, w2_ref, o_ref):
        dis = dis_ref[...]
        z = dis * (p0_ref[...] + p1_ref[...] + h1s_ref[...]) + b1_ref[...]
        z = jnp.maximum(z, 0.0)
        o_ref[...] = dis * jnp.dot(z, w2_ref[...],
                                   preferred_element_type=jnp.float32)

    return pl.pallas_call(
        body,
        grid=(n // bn,),
        in_specs=[
            pl.BlockSpec((bn, d), lambda i: (i, 0)),
            pl.BlockSpec((bn, d), lambda i: (i, 0)),
            pl.BlockSpec((bn, d), lambda i: (i, 0)),
            pl.BlockSpec((bn, 1), lambda i: (i, 0)),
            pl.BlockSpec((1, d), lambda i: (0, 0)),
            pl.BlockSpec((d, d_out), lambda i: (0, 0)),
        ],
        out_specs=pl.BlockSpec((bn, d_out), lambda i: (i, 0)),
        out_shape=jax.ShapeDtypeStruct((n, d_out), jnp.float32),
    )(p0, p1, h1s, dis, b1, W2)


def _tc_final(p0, p1, h2s, dis, b2, bn):
    n, d = h2s.shape

    def body(p0_ref, p1_ref, h2s_ref, dis_ref, b2_ref, o_ref):
        o_ref[...] = dis_ref[...] * (
            p0_ref[...] + p1_ref[...] + h2s_ref[...]) + b2_ref[...]

    return pl.pallas_call(
        body,
        grid=(n // bn,),
        in_specs=[
            pl.BlockSpec((bn, d), lambda i: (i, 0)),
            pl.BlockSpec((bn, d), lambda i: (i, 0)),
            pl.BlockSpec((bn, d), lambda i: (i, 0)),
            pl.BlockSpec((bn, 1), lambda i: (i, 0)),
            pl.BlockSpec((1, d), lambda i: (0, 0)),
        ],
        out_specs=pl.BlockSpec((bn, d), lambda i: (i, 0)),
        out_shape=jax.ShapeDtypeStruct((n, d), jnp.float32),
    )(p0, p1, h2s, dis, b2)


def kernel(x, edge_index, W1, b1, W2, b2):
    n = x.shape[0]
    e = edge_index.shape[1]
    bn = 1000 if n % 1000 == 0 else 8

    nch = -(-e // (NW * K))
    ep = NW * nch * K
    rps = -(-(n + 1) // NS)
    rps = -(-rps // 8) * 8
    R = NS * rps

    src = edge_index[0].astype(jnp.int32)
    dst = edge_index[1].astype(jnp.int32)
    pad = ep - e
    src3 = jnp.concatenate([src, jnp.zeros((pad,), jnp.int32)]).reshape(NW, nch, K)
    dst3 = jnp.concatenate([dst, jnp.full((pad,), n, jnp.int32)]).reshape(NW, nch, K)

    zeros16 = jnp.zeros((rps, 16), jnp.float32)
    ones16 = jnp.ones((K, 16), jnp.float32)

    deg_parts = _make_deg_kernel(R, nch, rps)(dst3, zeros16, ones16)
    h1 = _tc_matmul(x, W1, bn)

    d0 = deg_parts[0, :n, 0:1]
    d1 = deg_parts[1, :n, 0:1]
    dis, h1s = _tc_scale(d0, d1, h1, bn)

    d_hid = W1.shape[1]
    zeros_h = jnp.zeros((rps, d_hid), jnp.float32)
    parts1 = _make_agg_kernel(d_hid, R, nch, rps)(h1s, src3, dst3, zeros_h)
    h2s = _tc_layer2(parts1[0, :n], parts1[1, :n], h1s, dis,
                     b1.reshape(1, -1), W2, bn)

    d_out = W2.shape[1]
    zeros_o = jnp.zeros((rps, d_out), jnp.float32)
    parts2 = _make_agg_kernel(d_out, R, nch, rps)(h2s, src3, dst3, zeros_o)
    out = _tc_final(parts2[0, :n], parts2[1, :n], h2s, dis,
                    b2.reshape(1, -1), bn)
    return out

# --- scband reference (transcript-rebuilt; emitter-appended) ---
"""Pipeline reference for scband-gcnencoder-39608188403884 (READ-ONLY COPY).

The authoritative reference and input builder live on the scoring server;
editing this copy changes nothing except your own understanding.
"""

import jax, jax.numpy as jnp
import numpy as np

N = 10000
E = 320000
D_IN = 128
D_HID = 64
D_OUT = 32


def setup_inputs(seed: int = 0) -> dict:
    key = jax.random.key(seed)
    k1, k2, k3, k4, k5, k6 = jax.random.split(key, 6)
    x = jax.random.normal(k1, (N, D_IN), dtype=jnp.float32)
    edge_index = jax.random.randint(k2, (2, E), 0, N)
    W1 = jax.random.normal(k3, (D_IN, D_HID), dtype=jnp.float32) * 0.05
    b1 = jnp.zeros((D_HID,), dtype=jnp.float32)
    W2 = jax.random.normal(k4, (D_HID, D_OUT), dtype=jnp.float32) * 0.05
    b2 = jnp.zeros((D_OUT,), dtype=jnp.float32)
    return {"x": x, "edge_index": edge_index, "W1": W1, "b1": b1, "W2": W2, "b2": b2}


def gcn_conv(x, edge_index, W, b):
    # PyG GCNConv semantics: linear transform, add self-loops, symmetric normalization, scatter-add aggregate, add bias.
    num_nodes = x.shape[0]
    src = edge_index[0]
    dst = edge_index[1]
    loop = jnp.arange(num_nodes, dtype=src.dtype)
    src = jnp.concatenate([src, loop])
    dst = jnp.concatenate([dst, loop])
    h = x @ W
    deg = jnp.zeros((num_nodes,), dtype=h.dtype).at[dst].add(1.0)
    deg_inv_sqrt = jnp.where(deg > 0, deg ** -0.5, 0.0)
    norm = deg_inv_sqrt[src] * deg_inv_sqrt[dst]
    msg = h[src] * norm[:, None]
    out = jnp.zeros((num_nodes, h.shape[1]), dtype=h.dtype).at[dst].add(msg)
    return out + b


def reference(x, edge_index, W1, b1, W2, b2):
    h = jax.nn.relu(gcn_conv(x, edge_index, W1, b1))
    # F.dropout(training=self.training) is identity in eval mode
    out = gcn_conv(h, edge_index, W2, b2)
    return out

if __name__ == "__main__":
    import jax
    _d = setup_inputs()
    print(jax.jit(kernel)(*tuple(_d.values())))

</pallas_src>

<mosaic_0001>
#map = affine_map<(d0, d1) -> (0, 0)>
#map1 = affine_map<(d0, d1) -> (0, 0, 0)>
module attributes {stable_mosaic.version = 14 : i64} {
  func.func @agg_k(%arg0: i32, %arg1: i32, %arg2: memref<10000x32xf32, #tpu.memory_space<hbm>>, %arg3: memref<32x79x128xi32, #tpu.memory_space<hbm>>, %arg4: memref<32x79x128xi32, #tpu.memory_space<hbm>>, %arg5: memref<632x32xf32, #tpu.memory_space<hbm>>, %arg6: memref<2x10112x32xf32, #tpu.memory_space<hbm>>, %arg7: memref<79x128xi32, #tpu.memory_space<vmem>>, %arg8: memref<79x128xi32, #tpu.memory_space<vmem>>, %arg9: memref<2x128x32xf32, #tpu.memory_space<vmem>>, %arg10: memref<10112x32xf32, #tpu.memory_space<vmem_shared>>, %arg11: memref<!tpu.dma_semaphore, #tpu.memory_space<semaphore_mem>>, %arg12: memref<!tpu.dma_semaphore, #tpu.memory_space<semaphore_mem>>) attributes {dimension_semantics = [#tpu.dimension_semantics<core_parallel>, #tpu.dimension_semantics<subcore_parallel>], iteration_bounds = array<i64: 2, 16>, scalar_prefetch = 0 : i64, scratch_operands = 6 : i64, tpu.core_type = #tpu.core_type<sc_vector_subcore>, window_params = [{transform_indices = #map}, {transform_indices = #map1}, {transform_indices = #map1}, {transform_indices = #map}, {transform_indices = #map1}]} {
    %mul3A = arith.constant 16 : i32
    %mul3A_0 = arith.muli %arg0, %mul3A : i32
    %add3A = arith.addi %mul3A_0, %arg1 : i32
    %mul3A_1 = arith.constant 632 : i32
    %mul3A_2 = arith.muli %arg1, %mul3A_1 : i32
    "tpu.region"() ({
      %run_scoped3A = tpu.sem_alloc : memref<!tpu.dma_semaphore, #tpu.memory_space<semaphore_mem>>
      %dma_start3A_36 = arith.constant 0 : i32
      %dma_start3A_37 = tpu.memref_slice %arg10[%mul3A_2, %dma_start3A_36] : memref<10112x32xf32, #tpu.memory_space<vmem_shared>> -> memref<632x32xf32, #tpu.memory_space<vmem_shared>>
      tpu.enqueue_dma source(%arg5 : memref<632x32xf32, #tpu.memory_space<hbm>>) target(%dma_start3A_37 : memref<632x32xf32, #tpu.memory_space<vmem_shared>>) target_semaphore(%run_scoped3A : memref<!tpu.dma_semaphore, #tpu.memory_space<semaphore_mem>>)
      %dma_wait3A_38 = arith.constant 0 : i32
      %dma_wait3A_39 = tpu.memref_slice %arg10[%mul3A_2, %dma_wait3A_38] : memref<10112x32xf32, #tpu.memory_space<vmem_shared>> -> memref<632x32xf32, #tpu.memory_space<vmem_shared>>
      tpu.wait_dma2 semaphore(%run_scoped3A : memref<!tpu.dma_semaphore, #tpu.memory_space<semaphore_mem>>) src(%arg5 : memref<632x32xf32, #tpu.memory_space<hbm>>) dst(%dma_wait3A_39 : memref<632x32xf32, #tpu.memory_space<vmem_shared>>)
      tpu.yield
    }) : () -> ()
    "tpu.region"() ({
      %run_scoped3A = tpu.sem_alloc : memref<!tpu.dma_semaphore, #tpu.memory_space<semaphore_mem>>
      %dma_start3A_36 = arith.constant 0 : i32
      %dma_start3A_37 = arith.constant 0 : i32
      %dma_start3A_38 = tpu.memref_slice %arg3[%add3A, %dma_start3A_36, %dma_start3A_37] : memref<32x79x128xi32, #tpu.memory_space<hbm>> -> memref<1x79x128xi32, #tpu.memory_space<hbm>>
      %dma_start3A_39 = tpu.memref_squeeze %dma_start3A_38 : memref<1x79x128xi32, #tpu.memory_space<hbm>> -> memref<79x128xi32, #tpu.memory_space<hbm>>
      %dma_start3A_40 = arith.constant 0 : i32
      %dma_start3A_41 = arith.constant 0 : i32
      %dma_start3A_42 = tpu.memref_slice %arg3[%add3A, %dma_start3A_40, %dma_start3A_41] : memref<32x79x128xi32, #tpu.memory_space<hbm>> -> memref<1x79x128xi32, #tpu.memory_space<hbm>>
      %dma_start3A_43 = tpu.memref_squeeze %dma_start3A_42 : memref<1x79x128xi32, #tpu.memory_space<hbm>> -> memref<79x128xi32, #tpu.memory_space<hbm>>
      tpu.enqueue_dma source(%dma_start3A_43 : memref<79x128xi32, #tpu.memory_space<hbm>>) target(%arg7 : memref<79x128xi32, #tpu.memory_space<vmem>>) target_semaphore(%run_scoped3A : memref<!tpu.dma_semaphore, #tpu.memory_space<semaphore_mem>>)
      %dma_wait3A_44 = arith.constant 0 : i32
      %dma_wait3A_45 = arith.constant 0 : i32
      %dma_wait3A_46 = tpu.memref_slice %arg3[%add3A, %dma_wait3A_44, %dma_wait3A_45] : memref<32x79x128xi32, #tpu.memory_space<hbm>> -> memref<1x79x128xi32, #tpu.memory_space<hbm>>
      %dma_wait3A_47 = tpu.memref_squeeze %dma_wait3A_46 : memref<1x79x128xi32, #tpu.memory_space<hbm>> -> memref<79x128xi32, #tpu.memory_space<hbm>>
      %dma_wait3A_48 = arith.constant 0 : i32
      %dma_wait3A_49 = arith.constant 0 : i32
      %dma_wait3A_50 = tpu.memref_slice %arg3[%add3A, %dma_wait3A_48, %dma_wait3A_49] : memref<32x79x128xi32, #tpu.memory_space<hbm>> -> memref<1x79x128xi32, #tpu.memory_space<hbm>>
      %dma_wait3A_51 = tpu.memref_squeeze %dma_wait3A_50 : memref<1x79x128xi32, #tpu.memory_space<hbm>> -> memref<79x128xi32, #tpu.memory_space<hbm>>
      tpu.wait_dma2 semaphore(%run_scoped3A : memref<!tpu.dma_semaphore, #tpu.memory_space<semaphore_mem>>) src(%dma_wait3A_51 : memref<79x128xi32, #tpu.memory_space<hbm>>) dst(%arg7 : memref<79x128xi32, #tpu.memory_space<vmem>>)
      tpu.yield
    }) : () -> ()
    "tpu.region"() ({
      %run_scoped3A = tpu.sem_alloc : memref<!tpu.dma_semaphore, #tpu.memory_space<semaphore_mem>>
      %dma_start3A_36 = arith.constant 0 : i32
      %dma_start3A_37 = arith.constant 0 : i32
      %dma_start3A_38 = tpu.memref_slice %arg4[%add3A, %dma_start3A_36, %dma_start3A_37] : memref<32x79x128xi32, #tpu.memory_space<hbm>> -> memref<1x79x128xi32, #tpu.memory_space<hbm>>
      %dma_start3A_39 = tpu.memref_squeeze %dma_start3A_38 : memref<1x79x128xi32, #tpu.memory_space<hbm>> -> memref<79x128xi32, #tpu.memory_space<hbm>>
      %dma_start3A_40 = arith.constant 0 : i32
      %dma_start3A_41 = arith.constant 0 : i32
      %dma_start3A_42 = tpu.memref_slice %arg4[%add3A, %dma_start3A_40, %dma_start3A_41] : memref<32x79x128xi32, #tpu.memory_space<hbm>> -> memref<1x79x128xi32, #tpu.memory_space<hbm>>
      %dma_start3A_43 = tpu.memref_squeeze %dma_start3A_42 : memref<1x79x128xi32, #tpu.memory_space<hbm>> -> memref<79x128xi32, #tpu.memory_space<hbm>>
      tpu.enqueue_dma source(%dma_start3A_43 : memref<79x128xi32, #tpu.memory_space<hbm>>) target(%arg8 : memref<79x128xi32, #tpu.memory_space<vmem>>) target_semaphore(%run_scoped3A : memref<!tpu.dma_semaphore, #tpu.memory_space<semaphore_mem>>)
      %dma_wait3A_44 = arith.constant 0 : i32
      %dma_wait3A_45 = arith.constant 0 : i32
      %dma_wait3A_46 = tpu.memref_slice %arg4[%add3A, %dma_wait3A_44, %dma_wait3A_45] : memref<32x79x128xi32, #tpu.memory_space<hbm>> -> memref<1x79x128xi32, #tpu.memory_space<hbm>>
      %dma_wait3A_47 = tpu.memref_squeeze %dma_wait3A_46 : memref<1x79x128xi32, #tpu.memory_space<hbm>> -> memref<79x128xi32, #tpu.memory_space<hbm>>
      %dma_wait3A_48 = arith.constant 0 : i32
      %dma_wait3A_49 = arith.constant 0 : i32
      %dma_wait3A_50 = tpu.memref_slice %arg4[%add3A, %dma_wait3A_48, %dma_wait3A_49] : memref<32x79x128xi32, #tpu.memory_space<hbm>> -> memref<1x79x128xi32, #tpu.memory_space<hbm>>
      %dma_wait3A_51 = tpu.memref_squeeze %dma_wait3A_50 : memref<1x79x128xi32, #tpu.memory_space<hbm>> -> memref<79x128xi32, #tpu.memory_space<hbm>>
      tpu.wait_dma2 semaphore(%run_scoped3A : memref<!tpu.dma_semaphore, #tpu.memory_space<semaphore_mem>>) src(%dma_wait3A_51 : memref<79x128xi32, #tpu.memory_space<hbm>>) dst(%arg8 : memref<79x128xi32, #tpu.memory_space<vmem>>)
      tpu.yield
    }) : () -> ()
    %barrier3A = arith.constant 0 : index
    tpu.barrier barrier_id(%barrier3A)
    %dma_start3A = arith.constant 0 : i32
    %dma_start3A_3 = arith.constant 0 : i32
    %dma_start3A_4 = arith.constant 0 : i32
    %dma_start3A_5 = arith.constant 0 : i32
    %dma_start3A_6 = tpu.memref_slice %arg9[%dma_start3A_3, %dma_start3A_4, %dma_start3A_5] : memref<2x128x32xf32, #tpu.memory_space<vmem>> -> memref<1x128x32xf32, #tpu.memory_space<vmem>>
    %dma_start3A_7 = tpu.memref_squeeze %dma_start3A_6 : memref<1x128x32xf32, #tpu.memory_space<vmem>> -> memref<128x32xf32, #tpu.memory_space<vmem>>
    %dma_start3A_8 = arith.constant 0 : i32
    %dma_start3A_9 = tpu.memref_slice %arg7[%dma_start3A, %dma_start3A_8] : memref<79x128xi32, #tpu.memory_space<vmem>> -> memref<1x128xi32, #tpu.memory_space<vmem>>
    %dma_start3A_10 = tpu.memref_squeeze %dma_start3A_9 : memref<1x128xi32, #tpu.memory_space<vmem>> -> memref<128xi32, #tpu.memory_space<vmem>>
    %dma_start3A_11 = arith.constant 0 : i32
    %dma_start3A_12 = arith.constant 0 : i32
    %dma_start3A_13 = tpu.memref_slice %arg2[%dma_start3A_11, %dma_start3A_12] : memref<10000x32xf32, #tpu.memory_space<hbm>> -> memref<10000x32xf32, #tpu.memory_space<hbm>>
    tpu.enqueue_indirect_dma source(%dma_start3A_13 : memref<10000x32xf32, #tpu.memory_space<hbm>>) target(%dma_start3A_7 : memref<128x32xf32, #tpu.memory_space<vmem>>) offsets(%dma_start3A_10 : memref<128xi32, #tpu.memory_space<vmem>>) semaphore(%arg11 : memref<!tpu.dma_semaphore, #tpu.memory_space<semaphore_mem>>)
    %scan3A = arith.constant 0 : i32
    %scan3A_14 = arith.constant 0 : i32
    %scan3A_15 = arith.constant 79 : i32
    %scan3A_16 = arith.addi %scan3A_14, %scan3A_15 : i32
    %scan3A_17 = arith.constant 1 : i32
    scf.for %scan3A_36 = %scan3A_14 to %scan3A_16 step %scan3A_17  : i32 {
      %rem3A_37 = arith.constant 2 : i32
      %rem3A_38 = arith.remsi %scan3A_36, %rem3A_37 : i32
      %sub3A = arith.constant 1 : i32
      %sub3A_39 = arith.subi %sub3A, %rem3A_38 : i32
      %dma_wait3A_40 = arith.constant 0 : i32
      %dma_wait3A_41 = arith.constant 0 : i32
      %dma_wait3A_42 = tpu.memref_slice %arg9[%rem3A_38, %dma_wait3A_40, %dma_wait3A_41] : memref<2x128x32xf32, #tpu.memory_space<vmem>> -> memref<1x128x32xf32, #tpu.memory_space<vmem>>
      %dma_wait3A_43 = tpu.memref_squeeze %dma_wait3A_42 : memref<1x128x32xf32, #tpu.memory_space<vmem>> -> memref<128x32xf32, #tpu.memory_space<vmem>>
      %dma_wait3A_44 = arith.constant 0 : i32
      %dma_wait3A_45 = tpu.memref_slice %arg7[%scan3A_36, %dma_wait3A_44] : memref<79x128xi32, #tpu.memory_space<vmem>> -> memref<1x128xi32, #tpu.memory_space<vmem>>
      %dma_wait3A_46 = tpu.memref_squeeze %dma_wait3A_45 : memref<1x128xi32, #tpu.memory_space<vmem>> -> memref<128xi32, #tpu.memory_space<vmem>>
      %dma_wait3A_47 = arith.constant 0 : i32
      %dma_wait3A_48 = arith.constant 0 : i32
      %dma_wait3A_49 = tpu.memref_slice %arg2[%dma_wait3A_47, %dma_wait3A_48] : memref<10000x32xf32, #tpu.memory_space<hbm>> -> memref<10000x32xf32, #tpu.memory_space<hbm>>
      tpu.wait_indirect_dma semaphore(%arg11 : memref<!tpu.dma_semaphore, #tpu.memory_space<semaphore_mem>>) src(%dma_wait3A_49 : memref<10000x32xf32, #tpu.memory_space<hbm>>) dst(%dma_wait3A_43 : memref<128x32xf32, #tpu.memory_space<vmem>>)
      %ge3A = arith.constant 1 : i32
      %ge3A_50 = arith.cmpi sge, %scan3A_36, %ge3A : i32
      %convert_element_type3A = arith.extui %ge3A_50 : i1 to i32
      %cond3A = arith.constant 0 : i32
      %cond3A_51 = arith.cmpi ne, %convert_element_type3A, %cond3A : i32
      scf.if %cond3A_51 {
        %sub3A_66 = arith.constant 1 : i32
        %sub3A_67 = arith.subi %scan3A_36, %sub3A_66 : i32
        %dma_wait3A_68 = arith.constant 0 : i32
        %dma_wait3A_69 = arith.constant 0 : i32
        %dma_wait3A_70 = tpu.memref_slice %arg9[%sub3A_39, %dma_wait3A_68, %dma_wait3A_69] : memref<2x128x32xf32, #tpu.memory_space<vmem>> -> memref<1x128x32xf32, #tpu.memory_space<vmem>>
        %dma_wait3A_71 = tpu.memref_squeeze %dma_wait3A_70 : memref<1x128x32xf32, #tpu.memory_space<vmem>> -> memref<128x32xf32, #tpu.memory_space<vmem>>
        %dma_wait3A_72 = arith.constant 0 : i32
        %dma_wait3A_73 = tpu.memref_slice %arg8[%sub3A_67, %dma_wait3A_72] : memref<79x128xi32, #tpu.memory_space<vmem>> -> memref<1x128xi32, #tpu.memory_space<vmem>>
        %dma_wait3A_74 = tpu.memref_squeeze %dma_wait3A_73 : memref<1x128xi32, #tpu.memory_space<vmem>> -> memref<128xi32, #tpu.memory_space<vmem>>
        %dma_wait3A_75 = arith.constant 0 : i32
        %dma_wait3A_76 = arith.constant 0 : i32
        %dma_wait3A_77 = tpu.memref_slice %arg10[%dma_wait3A_75, %dma_wait3A_76] : memref<10112x32xf32, #tpu.memory_space<vmem_shared>> -> memref<10112x32xf32, #tpu.memory_space<vmem_shared>>
        tpu.wait_indirect_dma semaphore(%arg12 : memref<!tpu.dma_semaphore, #tpu.memory_space<semaphore_mem>>) src(%dma_wait3A_71 : memref<128x32xf32, #tpu.memory_space<vmem>>) dst(%dma_wait3A_77 : memref<10112x32xf32, #tpu.memory_space<vmem_shared>>)
      } else {
      }
      %lt3A = arith.constant 78 : i32
      %lt3A_52 = arith.cmpi slt, %scan3A_36, %lt3A : i32
      %convert_element_type3A_53 = arith.extui %lt3A_52 : i1 to i32
      %cond3A_54 = arith.constant 0 : i32
      %cond3A_55 = arith.cmpi ne, %convert_element_type3A_53, %cond3A_54 : i32
      scf.if %cond3A_55 {
        %add3A_66 = arith.constant 1 : i32
        %add3A_67 = arith.addi %scan3A_36, %add3A_66 : i32
        %dma_start3A_68 = arith.constant 0 : i32
        %dma_start3A_69 = arith.constant 0 : i32
        %dma_start3A_70 = tpu.memref_slice %arg9[%sub3A_39, %dma_start3A_68, %dma_start3A_69] : memref<2x128x32xf32, #tpu.memory_space<vmem>> -> memref<1x128x32xf32, #tpu.memory_space<vmem>>
        %dma_start3A_71 = tpu.memref_squeeze %dma_start3A_70 : memref<1x128x32xf32, #tpu.memory_space<vmem>> -> memref<128x32xf32, #tpu.memory_space<vmem>>
        %dma_start3A_72 = arith.constant 0 : i32
        %dma_start3A_73 = tpu.memref_slice %arg7[%add3A_67, %dma_start3A_72] : memref<79x128xi32, #tpu.memory_space<vmem>> -> memref<1x128xi32, #tpu.memory_space<vmem>>
        %dma_start3A_74 = tpu.memref_squeeze %dma_start3A_73 : memref<1x128xi32, #tpu.memory_space<vmem>> -> memref<128xi32, #tpu.memory_space<vmem>>
        %dma_start3A_75 = arith.constant 0 : i32
        %dma_start3A_76 = arith.constant 0 : i32
        %dma_start3A_77 = tpu.memref_slice %arg2[%dma_start3A_75, %dma_start3A_76] : memref<10000x32xf32, #tpu.memory_space<hbm>> -> memref<10000x32xf32, #tpu.memory_space<hbm>>
        tpu.enqueue_indirect_dma source(%dma_start3A_77 : memref<10000x32xf32, #tpu.memory_space<hbm>>) target(%dma_start3A_71 : memref<128x32xf32, #tpu.memory_space<vmem>>) offsets(%dma_start3A_74 : memref<128xi32, #tpu.memory_space<vmem>>) semaphore(%arg11 : memref<!tpu.dma_semaphore, #tpu.memory_space<semaphore_mem>>)
      } else {
      }
      %dma_start3A_56 = arith.constant 0 : i32
      %dma_start3A_57 = arith.constant 0 : i32
      %dma_start3A_58 = tpu.memref_slice %arg9[%rem3A_38, %dma_start3A_56, %dma_start3A_57] : memref<2x128x32xf32, #tpu.memory_space<vmem>> -> memref<1x128x32xf32, #tpu.memory_space<vmem>>
      %dma_start3A_59 = tpu.memref_squeeze %dma_start3A_58 : memref<1x128x32xf32, #tpu.memory_space<vmem>> -> memref<128x32xf32, #tpu.memory_space<vmem>>
      %dma_start3A_60 = arith.constant 0 : i32
      %dma_start3A_61 = tpu.memref_slice %arg8[%scan3A_36, %dma_start3A_60] : memref<79x128xi32, #tpu.memory_space<vmem>> -> memref<1x128xi32, #tpu.memory_space<vmem>>
      %dma_start3A_62 = tpu.memref_squeeze %dma_start3A_61 : memref<1x128xi32, #tpu.memory_space<vmem>> -> memref<128xi32, #tpu.memory_space<vmem>>
      %dma_start3A_63 = arith.constant 0 : i32
      %dma_start3A_64 = arith.constant 0 : i32
      %dma_start3A_65 = tpu.memref_slice %arg10[%dma_start3A_63, %dma_start3A_64] : memref<10112x32xf32, #tpu.memory_space<vmem_shared>> -> memref<10112x32xf32, #tpu.memory_space<vmem_shared>>
      tpu.enqueue_indirect_dma source(%dma_start3A_59 : memref<128x32xf32, #tpu.memory_space<vmem>>) target(%dma_start3A_65 : memref<10112x32xf32, #tpu.memory_space<vmem_shared>>) offsets(%dma_start3A_62 : memref<128xi32, #tpu.memory_space<vmem>>) semaphore(%arg12 : memref<!tpu.dma_semaphore, #tpu.memory_space<semaphore_mem>>) {add = true}
    }
    %scan3A_18 = arith.constant 79 : i32
    %rem3A = arith.constant 78 : i32
    %rem3A_19 = arith.constant 2 : i32
    %rem3A_20 = arith.remsi %rem3A, %rem3A_19 : i32
    %dma_wait3A = arith.constant 78 : i32
    %dma_wait3A_21 = arith.constant 0 : i32
    %dma_wait3A_22 = arith.constant 0 : i32
    %dma_wait3A_23 = tpu.memref_slice %arg9[%rem3A_20, %dma_wait3A_21, %dma_wait3A_22] : memref<2x128x32xf32, #tpu.memory_space<vmem>> -> memref<1x128x32xf32, #tpu.memory_space<vmem>>
    %dma_wait3A_24 = tpu.memref_squeeze %dma_wait3A_23 : memref<1x128x32xf32, #tpu.memory_space<vmem>> -> memref<128x32xf32, #tpu.memory_space<vmem>>
    %dma_wait3A_25 = arith.constant 0 : i32
    %dma_wait3A_26 = tpu.memref_slice %arg8[%dma_wait3A, %dma_wait3A_25] : memref<79x128xi32, #tpu.memory_space<vmem>> -> memref<1x128xi32, #tpu.memory_space<vmem>>
    %dma_wait3A_27 = tpu.memref_squeeze %dma_wait3A_26 : memref<1x128xi32, #tpu.memory_space<vmem>> -> memref<128xi32, #tpu.memory_space<vmem>>
    %dma_wait3A_28 = arith.constant 0 : i32
    %dma_wait3A_29 = arith.constant 0 : i32
    %dma_wait3A_30 = tpu.memref_slice %arg10[%dma_wait3A_28, %dma_wait3A_29] : memref<10112x32xf32, #tpu.memory_space<vmem_shared>> -> memref<10112x32xf32, #tpu.memory_space<vmem_shared>>
    tpu.wait_indirect_dma semaphore(%arg12 : memref<!tpu.dma_semaphore, #tpu.memory_space<semaphore_mem>>) src(%dma_wait3A_24 : memref<128x32xf32, #tpu.memory_space<vmem>>) dst(%dma_wait3A_30 : memref<10112x32xf32, #tpu.memory_space<vmem_shared>>)
    %barrier3A_31 = arith.constant 0 : index
    tpu.barrier barrier_id(%barrier3A_31)
    %mul3A_32 = arith.constant 632 : i32
    %mul3A_33 = arith.muli %arg1, %mul3A_32 : i32
    %mul3A_34 = arith.constant 632 : i32
    %mul3A_35 = arith.muli %arg1, %mul3A_34 : i32
    "tpu.region"() ({
      %run_scoped3A = tpu.sem_alloc : memref<!tpu.dma_semaphore, #tpu.memory_space<semaphore_mem>>
      %dma_start3A_36 = arith.constant 0 : i32
      %dma_start3A_37 = tpu.memref_slice %arg6[%arg0, %mul3A_35, %dma_start3A_36] : memref<2x10112x32xf32, #tpu.memory_space<hbm>> -> memref<1x632x32xf32, #tpu.memory_space<hbm>>
      %dma_start3A_38 = tpu.memref_squeeze %dma_start3A_37 : memref<1x632x32xf32, #tpu.memory_space<hbm>> -> memref<632x32xf32, #tpu.memory_space<hbm>>
      %dma_start3A_39 = arith.constant 0 : i32
      %dma_start3A_40 = tpu.memref_slice %arg10[%mul3A_33, %dma_start3A_39] : memref<10112x32xf32, #tpu.memory_space<vmem_shared>> -> memref<632x32xf32, #tpu.memory_space<vmem_shared>>
      tpu.enqueue_dma source(%dma_start3A_40 : memref<632x32xf32, #tpu.memory_space<vmem_shared>>) target(%dma_start3A_38 : memref<632x32xf32, #tpu.memory_space<hbm>>) target_semaphore(%run_scoped3A : memref<!tpu.dma_semaphore, #tpu.memory_space<semaphore_mem>>)
      %dma_wait3A_41 = arith.constant 0 : i32
      %dma_wait3A_42 = tpu.memref_slice %arg6[%arg0, %mul3A_35, %dma_wait3A_41] : memref<2x10112x32xf32, #tpu.memory_space<hbm>> -> memref<1x632x32xf32, #tpu.memory_space<hbm>>
      %dma_wait3A_43 = tpu.memref_squeeze %dma_wait3A_42 : memref<1x632x32xf32, #tpu.memory_space<hbm>> -> memref<632x32xf32, #tpu.memory_space<hbm>>
      %dma_wait3A_44 = arith.constant 0 : i32
      %dma_wait3A_45 = tpu.memref_slice %arg10[%mul3A_33, %dma_wait3A_44] : memref<10112x32xf32, #tpu.memory_space<vmem_shared>> -> memref<632x32xf32, #tpu.memory_space<vmem_shared>>
      tpu.wait_dma2 semaphore(%run_scoped3A : memref<!tpu.dma_semaphore, #tpu.memory_space<semaphore_mem>>) src(%dma_wait3A_45 : memref<632x32xf32, #tpu.memory_space<vmem_shared>>) dst(%dma_wait3A_43 : memref<632x32xf32, #tpu.memory_space<hbm>>)
      tpu.yield
    }) : () -> ()
    return
  }
}

#map = affine_map<(d0, d1) -> (0, 0, 0)>
#map1 = affine_map<(d0, d1) -> (0, 0)>
module attributes {stable_mosaic.version = 14 : i64} {
  func.func @deg_k(%arg0: i32, %arg1: i32, %arg2: memref<32x79x128xi32, #tpu.memory_space<hbm>>, %arg3: memref<632x16xf32, #tpu.memory_space<hbm>>, %arg4: memref<128x16xf32, #tpu.memory_space<hbm>>, %arg5: memref<2x10112x16xf32, #tpu.memory_space<hbm>>, %arg6: memref<79x128xi32, #tpu.memory_space<vmem>>, %arg7: memref<128x16xf32, #tpu.memory_space<vmem>>, %arg8: memref<10112x16xf32, #tpu.memory_space<vmem_shared>>) attributes {dimension_semantics = [#tpu.dimension_semantics<core_parallel>, #tpu.dimension_semantics<subcore_parallel>], iteration_bounds = array<i64: 2, 16>, scalar_prefetch = 0 : i64, scratch_operands = 3 : i64, tpu.core_type = #tpu.core_type<sc_vector_subcore>, window_params = [{transform_indices = #map}, {transform_indices = #map1}, {transform_indices = #map1}, {transform_indices = #map}]} {
    %mul3A = arith.constant 16 : i32
    %mul3A_0 = arith.muli %arg0, %mul3A : i32
    %add3A = arith.addi %mul3A_0, %arg1 : i32
    %mul3A_1 = arith.constant 632 : i32
    %mul3A_2 = arith.muli %arg1, %mul3A_1 : i32
    "tpu.region"() ({
      %run_scoped3A = tpu.sem_alloc : memref<!tpu.dma_semaphore, #tpu.memory_space<semaphore_mem>>
      %dma_start3A = arith.constant 0 : i32
      %dma_start3A_13 = tpu.memref_slice %arg8[%mul3A_2, %dma_start3A] : memref<10112x16xf32, #tpu.memory_space<vmem_shared>> -> memref<632x16xf32, #tpu.memory_space<vmem_shared>>
      tpu.enqueue_dma source(%arg3 : memref<632x16xf32, #tpu.memory_space<hbm>>) target(%dma_start3A_13 : memref<632x16xf32, #tpu.memory_space<vmem_shared>>) target_semaphore(%run_scoped3A : memref<!tpu.dma_semaphore, #tpu.memory_space<semaphore_mem>>)
      %dma_wait3A = arith.constant 0 : i32
      %dma_wait3A_14 = tpu.memref_slice %arg8[%mul3A_2, %dma_wait3A] : memref<10112x16xf32, #tpu.memory_space<vmem_shared>> -> memref<632x16xf32, #tpu.memory_space<vmem_shared>>
      tpu.wait_dma2 semaphore(%run_scoped3A : memref<!tpu.dma_semaphore, #tpu.memory_space<semaphore_mem>>) src(%arg3 : memref<632x16xf32, #tpu.memory_space<hbm>>) dst(%dma_wait3A_14 : memref<632x16xf32, #tpu.memory_space<vmem_shared>>)
      tpu.yield
    }) : () -> ()
    "tpu.region"() ({
      %run_scoped3A = tpu.sem_alloc : memref<!tpu.dma_semaphore, #tpu.memory_space<semaphore_mem>>
      tpu.enqueue_dma source(%arg4 : memref<128x16xf32, #tpu.memory_space<hbm>>) target(%arg7 : memref<128x16xf32, #tpu.memory_space<vmem>>) target_semaphore(%run_scoped3A : memref<!tpu.dma_semaphore, #tpu.memory_space<semaphore_mem>>)
      tpu.wait_dma2 semaphore(%run_scoped3A : memref<!tpu.dma_semaphore, #tpu.memory_space<semaphore_mem>>) src(%arg4 : memref<128x16xf32, #tpu.memory_space<hbm>>) dst(%arg7 : memref<128x16xf32, #tpu.memory_space<vmem>>)
      tpu.yield
    }) : () -> ()
    "tpu.region"() ({
      %run_scoped3A = tpu.sem_alloc : memref<!tpu.dma_semaphore, #tpu.memory_space<semaphore_mem>>
      %dma_start3A = arith.constant 0 : i32
      %dma_start3A_13 = arith.constant 0 : i32
      %dma_start3A_14 = tpu.memref_slice %arg2[%add3A, %dma_start3A, %dma_start3A_13] : memref<32x79x128xi32, #tpu.memory_space<hbm>> -> memref<1x79x128xi32, #tpu.memory_space<hbm>>
      %dma_start3A_15 = tpu.memref_squeeze %dma_start3A_14 : memref<1x79x128xi32, #tpu.memory_space<hbm>> -> memref<79x128xi32, #tpu.memory_space<hbm>>
      %dma_start3A_16 = arith.constant 0 : i32
      %dma_start3A_17 = arith.constant 0 : i32
      %dma_start3A_18 = tpu.memref_slice %arg2[%add3A, %dma_start3A_16, %dma_start3A_17] : memref<32x79x128xi32, #tpu.memory_space<hbm>> -> memref<1x79x128xi32, #tpu.memory_space<hbm>>
      %dma_start3A_19 = tpu.memref_squeeze %dma_start3A_18 : memref<1x79x128xi32, #tpu.memory_space<hbm>> -> memref<79x128xi32, #tpu.memory_space<hbm>>
      tpu.enqueue_dma source(%dma_start3A_19 : memref<79x128xi32, #tpu.memory_space<hbm>>) target(%arg6 : memref<79x128xi32, #tpu.memory_space<vmem>>) target_semaphore(%run_scoped3A : memref<!tpu.dma_semaphore, #tpu.memory_space<semaphore_mem>>)
      %dma_wait3A = arith.constant 0 : i32
      %dma_wait3A_20 = arith.constant 0 : i32
      %dma_wait3A_21 = tpu.memref_slice %arg2[%add3A, %dma_wait3A, %dma_wait3A_20] : memref<32x79x128xi32, #tpu.memory_space<hbm>> -> memref<1x79x128xi32, #tpu.memory_space<hbm>>
      %dma_wait3A_22 = tpu.memref_squeeze %dma_wait3A_21 : memref<1x79x128xi32, #tpu.memory_space<hbm>> -> memref<79x128xi32, #tpu.memory_space<hbm>>
      %dma_wait3A_23 = arith.constant 0 : i32
      %dma_wait3A_24 = arith.constant 0 : i32
      %dma_wait3A_25 = tpu.memref_slice %arg2[%add3A, %dma_wait3A_23, %dma_wait3A_24] : memref<32x79x128xi32, #tpu.memory_space<hbm>> -> memref<1x79x128xi32, #tpu.memory_space<hbm>>
      %dma_wait3A_26 = tpu.memref_squeeze %dma_wait3A_25 : memref<1x79x128xi32, #tpu.memory_space<hbm>> -> memref<79x128xi32, #tpu.memory_space<hbm>>
      tpu.wait_dma2 semaphore(%run_scoped3A : memref<!tpu.dma_semaphore, #tpu.memory_space<semaphore_mem>>) src(%dma_wait3A_26 : memref<79x128xi32, #tpu.memory_space<hbm>>) dst(%arg6 : memref<79x128xi32, #tpu.memory_space<vmem>>)
      tpu.yield
    }) : () -> ()
    %barrier3A = arith.constant 0 : index
    tpu.barrier barrier_id(%barrier3A)
    %scan3A = arith.constant 0 : i32
    %scan3A_3 = arith.constant 0 : i32
    %scan3A_4 = arith.constant 79 : i32
    %scan3A_5 = arith.addi %scan3A_3, %scan3A_4 : i32
    %scan3A_6 = arith.constant 1 : i32
    scf.for %scan3A_13 = %scan3A_3 to %scan3A_5 step %scan3A_6  : i32 {
      "tpu.region"() ({
        %run_scoped3A = tpu.sem_alloc : memref<!tpu.dma_semaphore, #tpu.memory_space<semaphore_mem>>
        %dma_start3A = arith.constant 0 : i32
        %dma_start3A_14 = tpu.memref_slice %arg6[%scan3A_13, %dma_start3A] : memref<79x128xi32, #tpu.memory_space<vmem>> -> memref<1x128xi32, #tpu.memory_space<vmem>>
        %dma_start3A_15 = tpu.memref_squeeze %dma_start3A_14 : memref<1x128xi32, #tpu.memory_space<vmem>> -> memref<128xi32, #tpu.memory_space<vmem>>
        %dma_start3A_16 = arith.constant 0 : i32
        %dma_start3A_17 = arith.constant 0 : i32
        %dma_start3A_18 = tpu.memref_slice %arg8[%dma_start3A_16, %dma_start3A_17] : memref<10112x16xf32, #tpu.memory_space<vmem_shared>> -> memref<10112x16xf32, #tpu.memory_space<vmem_shared>>
        tpu.enqueue_indirect_dma source(%arg7 : memref<128x16xf32, #tpu.memory_space<vmem>>) target(%dma_start3A_18 : memref<10112x16xf32, #tpu.memory_space<vmem_shared>>) offsets(%dma_start3A_15 : memref<128xi32, #tpu.memory_space<vmem>>) semaphore(%run_scoped3A : memref<!tpu.dma_semaphore, #tpu.memory_space<semaphore_mem>>) {add = true}
        %dma_wait3A = arith.constant 0 : i32
        %dma_wait3A_19 = tpu.memref_slice %arg6[%scan3A_13, %dma_wait3A] : memref<79x128xi32, #tpu.memory_space<vmem>> -> memref<1x128xi32, #tpu.memory_space<vmem>>
        %dma_wait3A_20 = tpu.memref_squeeze %dma_wait3A_19 : memref<1x128xi32, #tpu.memory_space<vmem>> -> memref<128xi32, #tpu.memory_space<vmem>>
        %dma_wait3A_21 = arith.constant 0 : i32
        %dma_wait3A_22 = arith.constant 0 : i32
        %dma_wait3A_23 = tpu.memref_slice %arg8[%dma_wait3A_21, %dma_wait3A_22] : memref<10112x16xf32, #tpu.memory_space<vmem_shared>> -> memref<10112x16xf32, #tpu.memory_space<vmem_shared>>
        tpu.wait_indirect_dma semaphore(%run_scoped3A : memref<!tpu.dma_semaphore, #tpu.memory_space<semaphore_mem>>) src(%arg7 : memref<128x16xf32, #tpu.memory_space<vmem>>) dst(%dma_wait3A_23 : memref<10112x16xf32, #tpu.memory_space<vmem_shared>>)
        tpu.yield
      }) : () -> ()
    }
    %scan3A_7 = arith.constant 79 : i32
    %barrier3A_8 = arith.constant 0 : index
    tpu.barrier barrier_id(%barrier3A_8)
    %mul3A_9 = arith.constant 632 : i32
    %mul3A_10 = arith.muli %arg1, %mul3A_9 : i32
    %mul3A_11 = arith.constant 632 : i32
    %mul3A_12 = arith.muli %arg1, %mul3A_11 : i32
    "tpu.region"() ({
      %run_scoped3A = tpu.sem_alloc : memref<!tpu.dma_semaphore, #tpu.memory_space<semaphore_mem>>
      %dma_start3A = arith.constant 0 : i32
      %dma_start3A_13 = tpu.memref_slice %arg5[%arg0, %mul3A_12, %dma_start3A] : memref<2x10112x16xf32, #tpu.memory_space<hbm>> -> memref<1x632x16xf32, #tpu.memory_space<hbm>>
      %dma_start3A_14 = tpu.memref_squeeze %dma_start3A_13 : memref<1x632x16xf32, #tpu.memory_space<hbm>> -> memref<632x16xf32, #tpu.memory_space<hbm>>
      %dma_start3A_15 = arith.constant 0 : i32
      %dma_start3A_16 = tpu.memref_slice %arg8[%mul3A_10, %dma_start3A_15] : memref<10112x16xf32, #tpu.memory_space<vmem_shared>> -> memref<632x16xf32, #tpu.memory_space<vmem_shared>>
      tpu.enqueue_dma source(%dma_start3A_16 : memref<632x16xf32, #tpu.memory_space<vmem_shared>>) target(%dma_start3A_14 : memref<632x16xf32, #tpu.memory_space<hbm>>) target_semaphore(%run_scoped3A : memref<!tpu.dma_semaphore, #tpu.memory_space<semaphore_mem>>)
      %dma_wait3A = arith.constant 0 : i32
      %dma_wait3A_17 = tpu.memref_slice %arg5[%arg0, %mul3A_12, %dma_wait3A] : memref<2x10112x16xf32, #tpu.memory_space<hbm>> -> memref<1x632x16xf32, #tpu.memory_space<hbm>>
      %dma_wait3A_18 = tpu.memref_squeeze %dma_wait3A_17 : memref<1x632x16xf32, #tpu.memory_space<hbm>> -> memref<632x16xf32, #tpu.memory_space<hbm>>
      %dma_wait3A_19 = arith.constant 0 : i32
      %dma_wait3A_20 = tpu.memref_slice %arg8[%mul3A_10, %dma_wait3A_19] : memref<10112x16xf32, #tpu.memory_space<vmem_shared>> -> memref<632x16xf32, #tpu.memory_space<vmem_shared>>
      tpu.wait_dma2 semaphore(%run_scoped3A : memref<!tpu.dma_semaphore, #tpu.memory_space<semaphore_mem>>) src(%dma_wait3A_20 : memref<632x16xf32, #tpu.memory_space<vmem_shared>>) dst(%dma_wait3A_18 : memref<632x16xf32, #tpu.memory_space<hbm>>)
      tpu.yield
    }) : () -> ()
    return
  }
}

#map = affine_map<(d0, d1) -> (0, 0)>
#map1 = affine_map<(d0, d1) -> (0, 0, 0)>
module attributes {stable_mosaic.version = 14 : i64} {
  func.func @agg_k(%arg0: i32, %arg1: i32, %arg2: memref<10000x64xf32, #tpu.memory_space<hbm>>, %arg3: memref<32x79x128xi32, #tpu.memory_space<hbm>>, %arg4: memref<32x79x128xi32, #tpu.memory_space<hbm>>, %arg5: memref<632x64xf32, #tpu.memory_space<hbm>>, %arg6: memref<2x10112x64xf32, #tpu.memory_space<hbm>>, %arg7: memref<79x128xi32, #tpu.memory_space<vmem>>, %arg8: memref<79x128xi32, #tpu.memory_space<vmem>>, %arg9: memref<2x128x64xf32, #tpu.memory_space<vmem>>, %arg10: memref<10112x64xf32, #tpu.memory_space<vmem_shared>>, %arg11: memref<!tpu.dma_semaphore, #tpu.memory_space<semaphore_mem>>, %arg12: memref<!tpu.dma_semaphore, #tpu.memory_space<semaphore_mem>>) attributes {dimension_semantics = [#tpu.dimension_semantics<core_parallel>, #tpu.dimension_semantics<subcore_parallel>], iteration_bounds = array<i64: 2, 16>, scalar_prefetch = 0 : i64, scratch_operands = 6 : i64, tpu.core_type = #tpu.core_type<sc_vector_subcore>, window_params = [{transform_indices = #map}, {transform_indices = #map1}, {transform_indices = #map1}, {transform_indices = #map}, {transform_indices = #map1}]} {
    %mul3A = arith.constant 16 : i32
    %mul3A_0 = arith.muli %arg0, %mul3A : i32
    %add3A = arith.addi %mul3A_0, %arg1 : i32
    %mul3A_1 = arith.constant 632 : i32
    %mul3A_2 = arith.muli %arg1, %mul3A_1 : i32
    "tpu.region"() ({
      %run_scoped3A = tpu.sem_alloc : memref<!tpu.dma_semaphore, #tpu.memory_space<semaphore_mem>>
      %dma_start3A_36 = arith.constant 0 : i32
      %dma_start3A_37 = tpu.memref_slice %arg10[%mul3A_2, %dma_start3A_36] : memref<10112x64xf32, #tpu.memory_space<vmem_shared>> -> memref<632x64xf32, #tpu.memory_space<vmem_shared>>
      tpu.enqueue_dma source(%arg5 : memref<632x64xf32, #tpu.memory_space<hbm>>) target(%dma_start3A_37 : memref<632x64xf32, #tpu.memory_space<vmem_shared>>) target_semaphore(%run_scoped3A : memref<!tpu.dma_semaphore, #tpu.memory_space<semaphore_mem>>)
      %dma_wait3A_38 = arith.constant 0 : i32
      %dma_wait3A_39 = tpu.memref_slice %arg10[%mul3A_2, %dma_wait3A_38] : memref<10112x64xf32, #tpu.memory_space<vmem_shared>> -> memref<632x64xf32, #tpu.memory_space<vmem_shared>>
      tpu.wait_dma2 semaphore(%run_scoped3A : memref<!tpu.dma_semaphore, #tpu.memory_space<semaphore_mem>>) src(%arg5 : memref<632x64xf32, #tpu.memory_space<hbm>>) dst(%dma_wait3A_39 : memref<632x64xf32, #tpu.memory_space<vmem_shared>>)
      tpu.yield
    }) : () -> ()
    "tpu.region"() ({
      %run_scoped3A = tpu.sem_alloc : memref<!tpu.dma_semaphore, #tpu.memory_space<semaphore_mem>>
      %dma_start3A_36 = arith.constant 0 : i32
      %dma_start3A_37 = arith.constant 0 : i32
      %dma_start3A_38 = tpu.memref_slice %arg3[%add3A, %dma_start3A_36, %dma_start3A_37] : memref<32x79x128xi32, #tpu.memory_space<hbm>> -> memref<1x79x128xi32, #tpu.memory_space<hbm>>
      %dma_start3A_39 = tpu.memref_squeeze %dma_start3A_38 : memref<1x79x128xi32, #tpu.memory_space<hbm>> -> memref<79x128xi32, #tpu.memory_space<hbm>>
      %dma_start3A_40 = arith.constant 0 : i32
      %dma_start3A_41 = arith.constant 0 : i32
      %dma_start3A_42 = tpu.memref_slice %arg3[%add3A, %dma_start3A_40, %dma_start3A_41] : memref<32x79x128xi32, #tpu.memory_space<hbm>> -> memref<1x79x128xi32, #tpu.memory_space<hbm>>
      %dma_start3A_43 = tpu.memref_squeeze %dma_start3A_42 : memref<1x79x128xi32, #tpu.memory_space<hbm>> -> memref<79x128xi32, #tpu.memory_space<hbm>>
      tpu.enqueue_dma source(%dma_start3A_43 : memref<79x128xi32, #tpu.memory_space<hbm>>) target(%arg7 : memref<79x128xi32, #tpu.memory_space<vmem>>) target_semaphore(%run_scoped3A : memref<!tpu.dma_semaphore, #tpu.memory_space<semaphore_mem>>)
      %dma_wait3A_44 = arith.constant 0 : i32
      %dma_wait3A_45 = arith.constant 0 : i32
      %dma_wait3A_46 = tpu.memref_slice %arg3[%add3A, %dma_wait3A_44, %dma_wait3A_45] : memref<32x79x128xi32, #tpu.memory_space<hbm>> -> memref<1x79x128xi32, #tpu.memory_space<hbm>>
      %dma_wait3A_47 = tpu.memref_squeeze %dma_wait3A_46 : memref<1x79x128xi32, #tpu.memory_space<hbm>> -> memref<79x128xi32, #tpu.memory_space<hbm>>
      %dma_wait3A_48 = arith.constant 0 : i32
      %dma_wait3A_49 = arith.constant 0 : i32
      %dma_wait3A_50 = tpu.memref_slice %arg3[%add3A, %dma_wait3A_48, %dma_wait3A_49] : memref<32x79x128xi32, #tpu.memory_space<hbm>> -> memref<1x79x128xi32, #tpu.memory_space<hbm>>
      %dma_wait3A_51 = tpu.memref_squeeze %dma_wait3A_50 : memref<1x79x128xi32, #tpu.memory_space<hbm>> -> memref<79x128xi32, #tpu.memory_space<hbm>>
      tpu.wait_dma2 semaphore(%run_scoped3A : memref<!tpu.dma_semaphore, #tpu.memory_space<semaphore_mem>>) src(%dma_wait3A_51 : memref<79x128xi32, #tpu.memory_space<hbm>>) dst(%arg7 : memref<79x128xi32, #tpu.memory_space<vmem>>)
      tpu.yield
    }) : () -> ()
    "tpu.region"() ({
      %run_scoped3A = tpu.sem_alloc : memref<!tpu.dma_semaphore, #tpu.memory_space<semaphore_mem>>
      %dma_start3A_36 = arith.constant 0 : i32
      %dma_start3A_37 = arith.constant 0 : i32
      %dma_start3A_38 = tpu.memref_slice %arg4[%add3A, %dma_start3A_36, %dma_start3A_37] : memref<32x79x128xi32, #tpu.memory_space<hbm>> -> memref<1x79x128xi32, #tpu.memory_space<hbm>>
      %dma_start3A_39 = tpu.memref_squeeze %dma_start3A_38 : memref<1x79x128xi32, #tpu.memory_space<hbm>> -> memref<79x128xi32, #tpu.memory_space<hbm>>
      %dma_start3A_40 = arith.constant 0 : i32
      %dma_start3A_41 = arith.constant 0 : i32
      %dma_start3A_42 = tpu.memref_slice %arg4[%add3A, %dma_start3A_40, %dma_start3A_41] : memref<32x79x128xi32, #tpu.memory_space<hbm>> -> memref<1x79x128xi32, #tpu.memory_space<hbm>>
      %dma_start3A_43 = tpu.memref_squeeze %dma_start3A_42 : memref<1x79x128xi32, #tpu.memory_space<hbm>> -> memref<79x128xi32, #tpu.memory_space<hbm>>
      tpu.enqueue_dma source(%dma_start3A_43 : memref<79x128xi32, #tpu.memory_space<hbm>>) target(%arg8 : memref<79x128xi32, #tpu.memory_space<vmem>>) target_semaphore(%run_scoped3A : memref<!tpu.dma_semaphore, #tpu.memory_space<semaphore_mem>>)
      %dma_wait3A_44 = arith.constant 0 : i32
      %dma_wait3A_45 = arith.constant 0 : i32
      %dma_wait3A_46 = tpu.memref_slice %arg4[%add3A, %dma_wait3A_44, %dma_wait3A_45] : memref<32x79x128xi32, #tpu.memory_space<hbm>> -> memref<1x79x128xi32, #tpu.memory_space<hbm>>
      %dma_wait3A_47 = tpu.memref_squeeze %dma_wait3A_46 : memref<1x79x128xi32, #tpu.memory_space<hbm>> -> memref<79x128xi32, #tpu.memory_space<hbm>>
      %dma_wait3A_48 = arith.constant 0 : i32
      %dma_wait3A_49 = arith.constant 0 : i32
      %dma_wait3A_50 = tpu.memref_slice %arg4[%add3A, %dma_wait3A_48, %dma_wait3A_49] : memref<32x79x128xi32, #tpu.memory_space<hbm>> -> memref<1x79x128xi32, #tpu.memory_space<hbm>>
      %dma_wait3A_51 = tpu.memref_squeeze %dma_wait3A_50 : memref<1x79x128xi32, #tpu.memory_space<hbm>> -> memref<79x128xi32, #tpu.memory_space<hbm>>
      tpu.wait_dma2 semaphore(%run_scoped3A : memref<!tpu.dma_semaphore, #tpu.memory_space<semaphore_mem>>) src(%dma_wait3A_51 : memref<79x128xi32, #tpu.memory_space<hbm>>) dst(%arg8 : memref<79x128xi32, #tpu.memory_space<vmem>>)
      tpu.yield
    }) : () -> ()
    %barrier3A = arith.constant 0 : index
    tpu.barrier barrier_id(%barrier3A)
    %dma_start3A = arith.constant 0 : i32
    %dma_start3A_3 = arith.constant 0 : i32
    %dma_start3A_4 = arith.constant 0 : i32
    %dma_start3A_5 = arith.constant 0 : i32
    %dma_start3A_6 = tpu.memref_slice %arg9[%dma_start3A_3, %dma_start3A_4, %dma_start3A_5] : memref<2x128x64xf32, #tpu.memory_space<vmem>> -> memref<1x128x64xf32, #tpu.memory_space<vmem>>
    %dma_start3A_7 = tpu.memref_squeeze %dma_start3A_6 : memref<1x128x64xf32, #tpu.memory_space<vmem>> -> memref<128x64xf32, #tpu.memory_space<vmem>>
    %dma_start3A_8 = arith.constant 0 : i32
    %dma_start3A_9 = tpu.memref_slice %arg7[%dma_start3A, %dma_start3A_8] : memref<79x128xi32, #tpu.memory_space<vmem>> -> memref<1x128xi32, #tpu.memory_space<vmem>>
    %dma_start3A_10 = tpu.memref_squeeze %dma_start3A_9 : memref<1x128xi32, #tpu.memory_space<vmem>> -> memref<128xi32, #tpu.memory_space<vmem>>
    %dma_start3A_11 = arith.constant 0 : i32
    %dma_start3A_12 = arith.constant 0 : i32
    %dma_start3A_13 = tpu.memref_slice %arg2[%dma_start3A_11, %dma_start3A_12] : memref<10000x64xf32, #tpu.memory_space<hbm>> -> memref<10000x64xf32, #tpu.memory_space<hbm>>
    tpu.enqueue_indirect_dma source(%dma_start3A_13 : memref<10000x64xf32, #tpu.memory_space<hbm>>) target(%dma_start3A_7 : memref<128x64xf32, #tpu.memory_space<vmem>>) offsets(%dma_start3A_10 : memref<128xi32, #tpu.memory_space<vmem>>) semaphore(%arg11 : memref<!tpu.dma_semaphore, #tpu.memory_space<semaphore_mem>>)
    %scan3A = arith.constant 0 : i32
    %scan3A_14 = arith.constant 0 : i32
    %scan3A_15 = arith.constant 79 : i32
    %scan3A_16 = arith.addi %scan3A_14, %scan3A_15 : i32
    %scan3A_17 = arith.constant 1 : i32
    scf.for %scan3A_36 = %scan3A_14 to %scan3A_16 step %scan3A_17  : i32 {
      %rem3A_37 = arith.constant 2 : i32
      %rem3A_38 = arith.remsi %scan3A_36, %rem3A_37 : i32
      %sub3A = arith.constant 1 : i32
      %sub3A_39 = arith.subi %sub3A, %rem3A_38 : i32
      %dma_wait3A_40 = arith.constant 0 : i32
      %dma_wait3A_41 = arith.constant 0 : i32
      %dma_wait3A_42 = tpu.memref_slice %arg9[%rem3A_38, %dma_wait3A_40, %dma_wait3A_41] : memref<2x128x64xf32, #tpu.memory_space<vmem>> -> memref<1x128x64xf32, #tpu.memory_space<vmem>>
      %dma_wait3A_43 = tpu.memref_squeeze %dma_wait3A_42 : memref<1x128x64xf32, #tpu.memory_space<vmem>> -> memref<128x64xf32, #tpu.memory_space<vmem>>
      %dma_wait3A_44 = arith.constant 0 : i32
      %dma_wait3A_45 = tpu.memref_slice %arg7[%scan3A_36, %dma_wait3A_44] : memref<79x128xi32, #tpu.memory_space<vmem>> -> memref<1x128xi32, #tpu.memory_space<vmem>>
      %dma_wait3A_46 = tpu.memref_squeeze %dma_wait3A_45 : memref<1x128xi32, #tpu.memory_space<vmem>> -> memref<128xi32, #tpu.memory_space<vmem>>
      %dma_wait3A_47 = arith.constant 0 : i32
      %dma_wait3A_48 = arith.constant 0 : i32
      %dma_wait3A_49 = tpu.memref_slice %arg2[%dma_wait3A_47, %dma_wait3A_48] : memref<10000x64xf32, #tpu.memory_space<hbm>> -> memref<10000x64xf32, #tpu.memory_space<hbm>>
      tpu.wait_indirect_dma semaphore(%arg11 : memref<!tpu.dma_semaphore, #tpu.memory_space<semaphore_mem>>) src(%dma_wait3A_49 : memref<10000x64xf32, #tpu.memory_space<hbm>>) dst(%dma_wait3A_43 : memref<128x64xf32, #tpu.memory_space<vmem>>)
      %ge3A = arith.constant 1 : i32
      %ge3A_50 = arith.cmpi sge, %scan3A_36, %ge3A : i32
      %convert_element_type3A = arith.extui %ge3A_50 : i1 to i32
      %cond3A = arith.constant 0 : i32
      %cond3A_51 = arith.cmpi ne, %convert_element_type3A, %cond3A : i32
      scf.if %cond3A_51 {
        %sub3A_66 = arith.constant 1 : i32
        %sub3A_67 = arith.subi %scan3A_36, %sub3A_66 : i32
        %dma_wait3A_68 = arith.constant 0 : i32
        %dma_wait3A_69 = arith.constant 0 : i32
        %dma_wait3A_70 = tpu.memref_slice %arg9[%sub3A_39, %dma_wait3A_68, %dma_wait3A_69] : memref<2x128x64xf32, #tpu.memory_space<vmem>> -> memref<1x128x64xf32, #tpu.memory_space<vmem>>
        %dma_wait3A_71 = tpu.memref_squeeze %dma_wait3A_70 : memref<1x128x64xf32, #tpu.memory_space<vmem>> -> memref<128x64xf32, #tpu.memory_space<vmem>>
        %dma_wait3A_72 = arith.constant 0 : i32
        %dma_wait3A_73 = tpu.memref_slice %arg8[%sub3A_67, %dma_wait3A_72] : memref<79x128xi32, #tpu.memory_space<vmem>> -> memref<1x128xi32, #tpu.memory_space<vmem>>
        %dma_wait3A_74 = tpu.memref_squeeze %dma_wait3A_73 : memref<1x128xi32, #tpu.memory_space<vmem>> -> memref<128xi32, #tpu.memory_space<vmem>>
        %dma_wait3A_75 = arith.constant 0 : i32
        %dma_wait3A_76 = arith.constant 0 : i32
        %dma_wait3A_77 = tpu.memref_slice %arg10[%dma_wait3A_75, %dma_wait3A_76] : memref<10112x64xf32, #tpu.memory_space<vmem_shared>> -> memref<10112x64xf32, #tpu.memory_space<vmem_shared>>
        tpu.wait_indirect_dma semaphore(%arg12 : memref<!tpu.dma_semaphore, #tpu.memory_space<semaphore_mem>>) src(%dma_wait3A_71 : memref<128x64xf32, #tpu.memory_space<vmem>>) dst(%dma_wait3A_77 : memref<10112x64xf32, #tpu.memory_space<vmem_shared>>)
      } else {
      }
      %lt3A = arith.constant 78 : i32
      %lt3A_52 = arith.cmpi slt, %scan3A_36, %lt3A : i32
      %convert_element_type3A_53 = arith.extui %lt3A_52 : i1 to i32
      %cond3A_54 = arith.constant 0 : i32
      %cond3A_55 = arith.cmpi ne, %convert_element_type3A_53, %cond3A_54 : i32
      scf.if %cond3A_55 {
        %add3A_66 = arith.constant 1 : i32
        %add3A_67 = arith.addi %scan3A_36, %add3A_66 : i32
        %dma_start3A_68 = arith.constant 0 : i32
        %dma_start3A_69 = arith.constant 0 : i32
        %dma_start3A_70 = tpu.memref_slice %arg9[%sub3A_39, %dma_start3A_68, %dma_start3A_69] : memref<2x128x64xf32, #tpu.memory_space<vmem>> -> memref<1x128x64xf32, #tpu.memory_space<vmem>>
        %dma_start3A_71 = tpu.memref_squeeze %dma_start3A_70 : memref<1x128x64xf32, #tpu.memory_space<vmem>> -> memref<128x64xf32, #tpu.memory_space<vmem>>
        %dma_start3A_72 = arith.constant 0 : i32
        %dma_start3A_73 = tpu.memref_slice %arg7[%add3A_67, %dma_start3A_72] : memref<79x128xi32, #tpu.memory_space<vmem>> -> memref<1x128xi32, #tpu.memory_space<vmem>>
        %dma_start3A_74 = tpu.memref_squeeze %dma_start3A_73 : memref<1x128xi32, #tpu.memory_space<vmem>> -> memref<128xi32, #tpu.memory_space<vmem>>
        %dma_start3A_75 = arith.constant 0 : i32
        %dma_start3A_76 = arith.constant 0 : i32
        %dma_start3A_77 = tpu.memref_slice %arg2[%dma_start3A_75, %dma_start3A_76] : memref<10000x64xf32, #tpu.memory_space<hbm>> -> memref<10000x64xf32, #tpu.memory_space<hbm>>
        tpu.enqueue_indirect_dma source(%dma_start3A_77 : memref<10000x64xf32, #tpu.memory_space<hbm>>) target(%dma_start3A_71 : memref<128x64xf32, #tpu.memory_space<vmem>>) offsets(%dma_start3A_74 : memref<128xi32, #tpu.memory_space<vmem>>) semaphore(%arg11 : memref<!tpu.dma_semaphore, #tpu.memory_space<semaphore_mem>>)
      } else {
      }
      %dma_start3A_56 = arith.constant 0 : i32
      %dma_start3A_57 = arith.constant 0 : i32
      %dma_start3A_58 = tpu.memref_slice %arg9[%rem3A_38, %dma_start3A_56, %dma_start3A_57] : memref<2x128x64xf32, #tpu.memory_space<vmem>> -> memref<1x128x64xf32, #tpu.memory_space<vmem>>
      %dma_start3A_59 = tpu.memref_squeeze %dma_start3A_58 : memref<1x128x64xf32, #tpu.memory_space<vmem>> -> memref<128x64xf32, #tpu.memory_space<vmem>>
      %dma_start3A_60 = arith.constant 0 : i32
      %dma_start3A_61 = tpu.memref_slice %arg8[%scan3A_36, %dma_start3A_60] : memref<79x128xi32, #tpu.memory_space<vmem>> -> memref<1x128xi32, #tpu.memory_space<vmem>>
      %dma_start3A_62 = tpu.memref_squeeze %dma_start3A_61 : memref<1x128xi32, #tpu.memory_space<vmem>> -> memref<128xi32, #tpu.memory_space<vmem>>
      %dma_start3A_63 = arith.constant 0 : i32
      %dma_start3A_64 = arith.constant 0 : i32
      %dma_start3A_65 = tpu.memref_slice %arg10[%dma_start3A_63, %dma_start3A_64] : memref<10112x64xf32, #tpu.memory_space<vmem_shared>> -> memref<10112x64xf32, #tpu.memory_space<vmem_shared>>
      tpu.enqueue_indirect_dma source(%dma_start3A_59 : memref<128x64xf32, #tpu.memory_space<vmem>>) target(%dma_start3A_65 : memref<10112x64xf32, #tpu.memory_space<vmem_shared>>) offsets(%dma_start3A_62 : memref<128xi32, #tpu.memory_space<vmem>>) semaphore(%arg12 : memref<!tpu.dma_semaphore, #tpu.memory_space<semaphore_mem>>) {add = true}
    }
    %scan3A_18 = arith.constant 79 : i32
    %rem3A = arith.constant 78 : i32
    %rem3A_19 = arith.constant 2 : i32
    %rem3A_20 = arith.remsi %rem3A, %rem3A_19 : i32
    %dma_wait3A = arith.constant 78 : i32
    %dma_wait3A_21 = arith.constant 0 : i32
    %dma_wait3A_22 = arith.constant 0 : i32
    %dma_wait3A_23 = tpu.memref_slice %arg9[%rem3A_20, %dma_wait3A_21, %dma_wait3A_22] : memref<2x128x64xf32, #tpu.memory_space<vmem>> -> memref<1x128x64xf32, #tpu.memory_space<vmem>>
    %dma_wait3A_24 = tpu.memref_squeeze %dma_wait3A_23 : memref<1x128x64xf32, #tpu.memory_space<vmem>> -> memref<128x64xf32, #tpu.memory_space<vmem>>
    %dma_wait3A_25 = arith.constant 0 : i32
    %dma_wait3A_26 = tpu.memref_slice %arg8[%dma_wait3A, %dma_wait3A_25] : memref<79x128xi32, #tpu.memory_space<vmem>> -> memref<1x128xi32, #tpu.memory_space<vmem>>
    %dma_wait3A_27 = tpu.memref_squeeze %dma_wait3A_26 : memref<1x128xi32, #tpu.memory_space<vmem>> -> memref<128xi32, #tpu.memory_space<vmem>>
    %dma_wait3A_28 = arith.constant 0 : i32
    %dma_wait3A_29 = arith.constant 0 : i32
    %dma_wait3A_30 = tpu.memref_slice %arg10[%dma_wait3A_28, %dma_wait3A_29] : memref<10112x64xf32, #tpu.memory_space<vmem_shared>> -> memref<10112x64xf32, #tpu.memory_space<vmem_shared>>
    tpu.wait_indirect_dma semaphore(%arg12 : memref<!tpu.dma_semaphore, #tpu.memory_space<semaphore_mem>>) src(%dma_wait3A_24 : memref<128x64xf32, #tpu.memory_space<vmem>>) dst(%dma_wait3A_30 : memref<10112x64xf32, #tpu.memory_space<vmem_shared>>)
    %barrier3A_31 = arith.constant 0 : index
    tpu.barrier barrier_id(%barrier3A_31)
    %mul3A_32 = arith.constant 632 : i32
    %mul3A_33 = arith.muli %arg1, %mul3A_32 : i32
    %mul3A_34 = arith.constant 632 : i32
    %mul3A_35 = arith.muli %arg1, %mul3A_34 : i32
    "tpu.region"() ({
      %run_scoped3A = tpu.sem_alloc : memref<!tpu.dma_semaphore, #tpu.memory_space<semaphore_mem>>
      %dma_start3A_36 = arith.constant 0 : i32
      %dma_start3A_37 = tpu.memref_slice %arg6[%arg0, %mul3A_35, %dma_start3A_36] : memref<2x10112x64xf32, #tpu.memory_space<hbm>> -> memref<1x632x64xf32, #tpu.memory_space<hbm>>
      %dma_start3A_38 = tpu.memref_squeeze %dma_start3A_37 : memref<1x632x64xf32, #tpu.memory_space<hbm>> -> memref<632x64xf32, #tpu.memory_space<hbm>>
      %dma_start3A_39 = arith.constant 0 : i32
      %dma_start3A_40 = tpu.memref_slice %arg10[%mul3A_33, %dma_start3A_39] : memref<10112x64xf32, #tpu.memory_space<vmem_shared>> -> memref<632x64xf32, #tpu.memory_space<vmem_shared>>
      tpu.enqueue_dma source(%dma_start3A_40 : memref<632x64xf32, #tpu.memory_space<vmem_shared>>) target(%dma_start3A_38 : memref<632x64xf32, #tpu.memory_space<hbm>>) target_semaphore(%run_scoped3A : memref<!tpu.dma_semaphore, #tpu.memory_space<semaphore_mem>>)
      %dma_wait3A_41 = arith.constant 0 : i32
      %dma_wait3A_42 = tpu.memref_slice %arg6[%arg0, %mul3A_35, %dma_wait3A_41] : memref<2x10112x64xf32, #tpu.memory_space<hbm>> -> memref<1x632x64xf32, #tpu.memory_space<hbm>>
      %dma_wait3A_43 = tpu.memref_squeeze %dma_wait3A_42 : memref<1x632x64xf32, #tpu.memory_space<hbm>> -> memref<632x64xf32, #tpu.memory_space<hbm>>
      %dma_wait3A_44 = arith.constant 0 : i32
      %dma_wait3A_45 = tpu.memref_slice %arg10[%mul3A_33, %dma_wait3A_44] : memref<10112x64xf32, #tpu.memory_space<vmem_shared>> -> memref<632x64xf32, #tpu.memory_space<vmem_shared>>
      tpu.wait_dma2 semaphore(%run_scoped3A : memref<!tpu.dma_semaphore, #tpu.memory_space<semaphore_mem>>) src(%dma_wait3A_45 : memref<632x64xf32, #tpu.memory_space<vmem_shared>>) dst(%dma_wait3A_43 : memref<632x64xf32, #tpu.memory_space<hbm>>)
      tpu.yield
    }) : () -> ()
    return
  }
}

module attributes {stable_mosaic.version = 14 : i64} {
  func.func @mm(%arg0: i32, %arg1: memref<1000x128xf32, #tpu.memory_space<vmem>>, %arg2: memref<128x64xf32, #tpu.memory_space<vmem>>, %arg3: memref<1000x64xf32, #tpu.memory_space<vmem>>) attributes {dimension_semantics = [#tpu.dimension_semantics<arbitrary>], iteration_bounds = array<i64: 10>, scalar_prefetch = 0 : i64, scratch_operands = 0 : i64, tpu.core_type = #tpu.core_type<tc>, window_params = [{transform_indices = @transform_0, window_bounds = array<i64: 1000, 128>}, {pipeline_mode = #tpu.pipeline_mode<synchronous>, transform_indices = @transform_1, window_bounds = array<i64: 128, 64>}, {transform_indices = @transform_2, window_bounds = array<i64: 1000, 64>}]} {
    %get3A = arith.constant 0 : index
    %get3A_0 = arith.constant 0 : index
    %get3A_1 = vector.load %arg1[%get3A, %get3A_0] : memref<1000x128xf32, #tpu.memory_space<vmem>>, vector<1000x128xf32>
    %get3A_2 = arith.constant 0 : index
    %get3A_3 = arith.constant 0 : index
    %get3A_4 = vector.load %arg2[%get3A_2, %get3A_3] : memref<128x64xf32, #tpu.memory_space<vmem>>, vector<128x64xf32>
    %dot_general3A = arith.constant dense<0.000000e+00> : vector<1000x64xf32>
    %dot_general3A_5 = tpu.matmul %get3A_1, %get3A_4, %dot_general3A {dimension_numbers = #tpu.dot_dimension_numbers<[1], [0], [0], [1], [0, 0, 1, 1], [], []>, transpose_lhs_hint = false} : vector<1000x128xf32>, vector<128x64xf32>, vector<1000x64xf32> -> vector<1000x64xf32>
    %swap3A = arith.constant 0 : index
    %swap3A_6 = arith.constant 0 : index
    %swap3A_7 = vector.load %arg3[%swap3A, %swap3A_6] : memref<1000x64xf32, #tpu.memory_space<vmem>>, vector<1000x64xf32>
    tpu.vector_store %arg3[%swap3A, %swap3A_6], %dot_general3A_5 {strides = array<i32>} : memref<1000x64xf32, #tpu.memory_space<vmem>>, vector<1000x64xf32>,
    return
  }
  func.func @transform_0(%arg0: i32) -> (i32, i32) {
    %c0_i32 = arith.constant 0 : i32
    %c0_i32_0 = arith.constant 0 : i32
    return %arg0, %c0_i32 : i32, i32
  }
  func.func @transform_1(%arg0: i32) -> (i32, i32) {
    %c0_i32 = arith.constant 0 : i32
    %c0_i32_0 = arith.constant 0 : i32
    %c0_i32_1 = arith.constant 0 : i32
    return %c0_i32, %c0_i32_0 : i32, i32
  }
  func.func @transform_2(%arg0: i32) -> (i32, i32) {
    %c0_i32 = arith.constant 0 : i32
    %c0_i32_0 = arith.constant 0 : i32
    return %arg0, %c0_i32 : i32, i32
  }
}

module attributes {stable_mosaic.version = 14 : i64} {
  func.func @body(%arg0: i32, %arg1: memref<1000x1xf32, #tpu.memory_space<vmem>>, %arg2: memref<1000x1xf32, #tpu.memory_space<vmem>>, %arg3: memref<1000x64xf32, #tpu.memory_space<vmem>>, %arg4: memref<1000x1xf32, #tpu.memory_space<vmem>>, %arg5: memref<1000x64xf32, #tpu.memory_space<vmem>>) attributes {dimension_semantics = [#tpu.dimension_semantics<arbitrary>], iteration_bounds = array<i64: 10>, scalar_prefetch = 0 : i64, scratch_operands = 0 : i64, tpu.core_type = #tpu.core_type<tc>, window_params = [{transform_indices = @transform_0, window_bounds = array<i64: 1000, 1>}, {transform_indices = @transform_1, window_bounds = array<i64: 1000, 1>}, {transform_indices = @transform_2, window_bounds = array<i64: 1000, 64>}, {transform_indices = @transform_3, window_bounds = array<i64: 1000, 1>}, {transform_indices = @transform_4, window_bounds = array<i64: 1000, 64>}]} {
    %get3A = arith.constant 0 : index
    %get3A_0 = arith.constant 0 : index
    %get3A_1 = vector.load %arg1[%get3A, %get3A_0] : memref<1000x1xf32, #tpu.memory_space<vmem>>, vector<1000x1xf32>
    %get3A_2 = arith.constant 0 : index
    %get3A_3 = arith.constant 0 : index
    %get3A_4 = vector.load %arg2[%get3A_2, %get3A_3] : memref<1000x1xf32, #tpu.memory_space<vmem>>, vector<1000x1xf32>
    %add3A = arith.addf %get3A_1, %get3A_4 : vector<1000x1xf32>
    %add3A_5 = arith.constant 1.000000e+00 : f32
    %add3A_6 = vector.broadcast %add3A_5 : f32 to vector<1000x1xf32>
    %add3A_7 = arith.addf %add3A, %add3A_6 : vector<1000x1xf32>
    %rsqrt3A = math.rsqrt %add3A_7 : vector<1000x1xf32>
    %swap3A = arith.constant 0 : index
    %swap3A_8 = arith.constant 0 : index
    %swap3A_9 = vector.load %arg4[%swap3A, %swap3A_8] : memref<1000x1xf32, #tpu.memory_space<vmem>>, vector<1000x1xf32>
    tpu.vector_store %arg4[%swap3A, %swap3A_8], %rsqrt3A {strides = array<i32>} : memref<1000x1xf32, #tpu.memory_space<vmem>>, vector<1000x1xf32>,
    %get3A_10 = arith.constant 0 : index
    %get3A_11 = arith.constant 0 : index
    %get3A_12 = vector.load %arg3[%get3A_10, %get3A_11] : memref<1000x64xf32, #tpu.memory_space<vmem>>, vector<1000x64xf32>
    %mul3A = vector.broadcast %rsqrt3A : vector<1000x1xf32> to vector<1000x64xf32>
    %mul3A_13 = arith.mulf %mul3A, %get3A_12 : vector<1000x64xf32>
    %swap3A_14 = arith.constant 0 : index
    %swap3A_15 = arith.constant 0 : index
    %swap3A_16 = vector.load %arg5[%swap3A_14, %swap3A_15] : memref<1000x64xf32, #tpu.memory_space<vmem>>, vector<1000x64xf32>
    tpu.vector_store %arg5[%swap3A_14, %swap3A_15], %mul3A_13 {strides = array<i32>} : memref<1000x64xf32, #tpu.memory_space<vmem>>, vector<1000x64xf32>,
    return
  }
  func.func @transform_0(%arg0: i32) -> (i32, i32) {
    %c0_i32 = arith.constant 0 : i32
    %c0_i32_0 = arith.constant 0 : i32
    return %arg0, %c0_i32 : i32, i32
  }
  func.func @transform_1(%arg0: i32) -> (i32, i32) {
    %c0_i32 = arith.constant 0 : i32
    %c0_i32_0 = arith.constant 0 : i32
    return %arg0, %c0_i32 : i32, i32
  }
  func.func @transform_2(%arg0: i32) -> (i32, i32) {
    %c0_i32 = arith.constant 0 : i32
    %c0_i32_0 = arith.constant 0 : i32
    return %arg0, %c0_i32 : i32, i32
  }
  func.func @transform_3(%arg0: i32) -> (i32, i32) {
    %c0_i32 = arith.constant 0 : i32
    %c0_i32_0 = arith.constant 0 : i32
    return %arg0, %c0_i32 : i32, i32
  }
  func.func @transform_4(%arg0: i32) -> (i32, i32) {
    %c0_i32 = arith.constant 0 : i32
    %c0_i32_0 = arith.constant 0 : i32
    return %arg0, %c0_i32 : i32, i32
  }
}

module attributes {stable_mosaic.version = 14 : i64} {
  func.func @body(%arg0: i32, %arg1: memref<1000x64xf32, #tpu.memory_space<vmem>>, %arg2: memref<1000x64xf32, #tpu.memory_space<vmem>>, %arg3: memref<1000x64xf32, #tpu.memory_space<vmem>>, %arg4: memref<1000x1xf32, #tpu.memory_space<vmem>>, %arg5: memref<1x64xf32, #tpu.memory_space<vmem>>, %arg6: memref<64x32xf32, #tpu.memory_space<vmem>>, %arg7: memref<1000x32xf32, #tpu.memory_space<vmem>>) attributes {dimension_semantics = [#tpu.dimension_semantics<arbitrary>], iteration_bounds = array<i64: 10>, scalar_prefetch = 0 : i64, scratch_operands = 0 : i64, tpu.core_type = #tpu.core_type<tc>, window_params = [{transform_indices = @transform_0, window_bounds = array<i64: 1000, 64>}, {transform_indices = @transform_1, window_bounds = array<i64: 1000, 64>}, {transform_indices = @transform_2, window_bounds = array<i64: 1000, 64>}, {transform_indices = @transform_3, window_bounds = array<i64: 1000, 1>}, {pipeline_mode = #tpu.pipeline_mode<synchronous>, transform_indices = @transform_4, window_bounds = array<i64: 1, 64>}, {pipeline_mode = #tpu.pipeline_mode<synchronous>, transform_indices = @transform_5, window_bounds = array<i64: 64, 32>}, {transform_indices = @transform_6, window_bounds = array<i64: 1000, 32>}]} {
    %get3A = arith.constant 0 : index
    %get3A_0 = arith.constant 0 : index
    %get3A_1 = vector.load %arg4[%get3A, %get3A_0] : memref<1000x1xf32, #tpu.memory_space<vmem>>, vector<1000x1xf32>
    %get3A_2 = arith.constant 0 : index
    %get3A_3 = arith.constant 0 : index
    %get3A_4 = vector.load %arg1[%get3A_2, %get3A_3] : memref<1000x64xf32, #tpu.memory_space<vmem>>, vector<1000x64xf32>
    %get3A_5 = arith.constant 0 : index
    %get3A_6 = arith.constant 0 : index
    %get3A_7 = vector.load %arg2[%get3A_5, %get3A_6] : memref<1000x64xf32, #tpu.memory_space<vmem>>, vector<1000x64xf32>
    %add3A = arith.addf %get3A_4, %get3A_7 : vector<1000x64xf32>
    %get3A_8 = arith.constant 0 : index
    %get3A_9 = arith.constant 0 : index
    %get3A_10 = vector.load %arg3[%get3A_8, %get3A_9] : memref<1000x64xf32, #tpu.memory_space<vmem>>, vector<1000x64xf32>
    %add3A_11 = arith.addf %add3A, %get3A_10 : vector<1000x64xf32>
    %mul3A = vector.broadcast %get3A_1 : vector<1000x1xf32> to vector<1000x64xf32>
    %mul3A_12 = arith.mulf %mul3A, %add3A_11 : vector<1000x64xf32>
    %get3A_13 = arith.constant 0 : index
    %get3A_14 = arith.constant 0 : index
    %get3A_15 = vector.load %arg5[%get3A_13, %get3A_14] : memref<1x64xf32, #tpu.memory_space<vmem>>, vector<1x64xf32>
    %add3A_16 = vector.broadcast %get3A_15 : vector<1x64xf32> to vector<1000x64xf32>
    %add3A_17 = arith.addf %mul3A_12, %add3A_16 : vector<1000x64xf32>
    %max3A = arith.constant 0.000000e+00 : f32
    %max3A_18 = vector.broadcast %max3A : f32 to vector<1000x64xf32>
    %max3A_19 = arith.maximumf %add3A_17, %max3A_18 : vector<1000x64xf32>
    %get3A_20 = arith.constant 0 : index
    %get3A_21 = arith.constant 0 : index
    %get3A_22 = vector.load %arg6[%get3A_20, %get3A_21] : memref<64x32xf32, #tpu.memory_space<vmem>>, vector<64x32xf32>
    %dot_general3A = arith.constant dense<0.000000e+00> : vector<1000x32xf32>
    %dot_general3A_23 = tpu.matmul %max3A_19, %get3A_22, %dot_general3A {dimension_numbers = #tpu.dot_dimension_numbers<[1], [0], [0], [1], [0, 0, 1, 1], [], []>, transpose_lhs_hint = false} : vector<1000x64xf32>, vector<64x32xf32>, vector<1000x32xf32> -> vector<1000x32xf32>
    %mul3A_24 = vector.broadcast %get3A_1 : vector<1000x1xf32> to vector<1000x32xf32>
    %mul3A_25 = arith.mulf %mul3A_24, %dot_general3A_23 : vector<1000x32xf32>
    %swap3A = arith.constant 0 : index
    %swap3A_26 = arith.constant 0 : index
    %swap3A_27 = vector.load %arg7[%swap3A, %swap3A_26] : memref<1000x32xf32, #tpu.memory_space<vmem>>, vector<1000x32xf32>
    tpu.vector_store %arg7[%swap3A, %swap3A_26], %mul3A_25 {strides = array<i32>} : memref<1000x32xf32, #tpu.memory_space<vmem>>, vector<1000x32xf32>,
    return
  }
  func.func @transform_0(%arg0: i32) -> (i32, i32) {
    %c0_i32 = arith.constant 0 : i32
    %c0_i32_0 = arith.constant 0 : i32
    return %arg0, %c0_i32 : i32, i32
  }
  func.func @transform_1(%arg0: i32) -> (i32, i32) {
    %c0_i32 = arith.constant 0 : i32
    %c0_i32_0 = arith.constant 0 : i32
    return %arg0, %c0_i32 : i32, i32
  }
  func.func @transform_2(%arg0: i32) -> (i32, i32) {
    %c0_i32 = arith.constant 0 : i32
    %c0_i32_0 = arith.constant 0 : i32
    return %arg0, %c0_i32 : i32, i32
  }
  func.func @transform_3(%arg0: i32) -> (i32, i32) {
    %c0_i32 = arith.constant 0 : i32
    %c0_i32_0 = arith.constant 0 : i32
    return %arg0, %c0_i32 : i32, i32
  }
  func.func @transform_4(%arg0: i32) -> (i32, i32) {
    %c0_i32 = arith.constant 0 : i32
    %c0_i32_0 = arith.constant 0 : i32
    %c0_i32_1 = arith.constant 0 : i32
    return %c0_i32, %c0_i32_0 : i32, i32
  }
  func.func @transform_5(%arg0: i32) -> (i32, i32) {
    %c0_i32 = arith.constant 0 : i32
    %c0_i32_0 = arith.constant 0 : i32
    %c0_i32_1 = arith.constant 0 : i32
    return %c0_i32, %c0_i32_0 : i32, i32
  }
  func.func @transform_6(%arg0: i32) -> (i32, i32) {
    %c0_i32 = arith.constant 0 : i32
    %c0_i32_0 = arith.constant 0 : i32
    return %arg0, %c0_i32 : i32, i32
  }
}

module attributes {stable_mosaic.version = 14 : i64} {
  func.func @body(%arg0: i32, %arg1: memref<1000x32xf32, #tpu.memory_space<vmem>>, %arg2: memref<1000x32xf32, #tpu.memory_space<vmem>>, %arg3: memref<1000x32xf32, #tpu.memory_space<vmem>>, %arg4: memref<1000x1xf32, #tpu.memory_space<vmem>>, %arg5: memref<1x32xf32, #tpu.memory_space<vmem>>, %arg6: memref<1000x32xf32, #tpu.memory_space<vmem>>) attributes {dimension_semantics = [#tpu.dimension_semantics<arbitrary>], iteration_bounds = array<i64: 10>, scalar_prefetch = 0 : i64, scratch_operands = 0 : i64, tpu.core_type = #tpu.core_type<tc>, window_params = [{transform_indices = @transform_0, window_bounds = array<i64: 1000, 32>}, {transform_indices = @transform_1, window_bounds = array<i64: 1000, 32>}, {transform_indices = @transform_2, window_bounds = array<i64: 1000, 32>}, {transform_indices = @transform_3, window_bounds = array<i64: 1000, 1>}, {pipeline_mode = #tpu.pipeline_mode<synchronous>, transform_indices = @transform_4, window_bounds = array<i64: 1, 32>}, {transform_indices = @transform_5, window_bounds = array<i64: 1000, 32>}]} {
    %get3A = arith.constant 0 : index
    %get3A_0 = arith.constant 0 : index
    %get3A_1 = vector.load %arg4[%get3A, %get3A_0] : memref<1000x1xf32, #tpu.memory_space<vmem>>, vector<1000x1xf32>
    %get3A_2 = arith.constant 0 : index
    %get3A_3 = arith.constant 0 : index
    %get3A_4 = vector.load %arg1[%get3A_2, %get3A_3] : memref<1000x32xf32, #tpu.memory_space<vmem>>, vector<1000x32xf32>
    %get3A_5 = arith.constant 0 : index
    %get3A_6 = arith.constant 0 : index
    %get3A_7 = vector.load %arg2[%get3A_5, %get3A_6] : memref<1000x32xf32, #tpu.memory_space<vmem>>, vector<1000x32xf32>
    %add3A = arith.addf %get3A_4, %get3A_7 : vector<1000x32xf32>
    %get3A_8 = arith.constant 0 : index
    %get3A_9 = arith.constant 0 : index
    %get3A_10 = vector.load %arg3[%get3A_8, %get3A_9] : memref<1000x32xf32, #tpu.memory_space<vmem>>, vector<1000x32xf32>
    %add3A_11 = arith.addf %add3A, %get3A_10 : vector<1000x32xf32>
    %mul3A = vector.broadcast %get3A_1 : vector<1000x1xf32> to vector<1000x32xf32>
    %mul3A_12 = arith.mulf %mul3A, %add3A_11 : vector<1000x32xf32>
    %get3A_13 = arith.constant 0 : index
    %get3A_14 = arith.constant 0 : index
    %get3A_15 = vector.load %arg5[%get3A_13, %get3A_14] : memref<1x32xf32, #tpu.memory_space<vmem>>, vector<1x32xf32>
    %add3A_16 = vector.broadcast %get3A_15 : vector<1x32xf32> to vector<1000x32xf32>
    %add3A_17 = arith.addf %mul3A_12, %add3A_16 : vector<1000x32xf32>
    %swap3A = arith.constant 0 : index
    %swap3A_18 = arith.constant 0 : index
    %swap3A_19 = vector.load %arg6[%swap3A, %swap3A_18] : memref<1000x32xf32, #tpu.memory_space<vmem>>, vector<1000x32xf32>
    tpu.vector_store %arg6[%swap3A, %swap3A_18], %add3A_17 {strides = array<i32>} : memref<1000x32xf32, #tpu.memory_space<vmem>>, vector<1000x32xf32>,
    return
  }
  func.func @transform_0(%arg0: i32) -> (i32, i32) {
    %c0_i32 = arith.constant 0 : i32
    %c0_i32_0 = arith.constant 0 : i32
    return %arg0, %c0_i32 : i32, i32
  }
  func.func @transform_1(%arg0: i32) -> (i32, i32) {
    %c0_i32 = arith.constant 0 : i32
    %c0_i32_0 = arith.constant 0 : i32
    return %arg0, %c0_i32 : i32, i32
  }
  func.func @transform_2(%arg0: i32) -> (i32, i32) {
    %c0_i32 = arith.constant 0 : i32
    %c0_i32_0 = arith.constant 0 : i32
    return %arg0, %c0_i32 : i32, i32
  }
  func.func @transform_3(%arg0: i32) -> (i32, i32) {
    %c0_i32 = arith.constant 0 : i32
    %c0_i32_0 = arith.constant 0 : i32
    return %arg0, %c0_i32 : i32, i32
  }
  func.func @transform_4(%arg0: i32) -> (i32, i32) {
    %c0_i32 = arith.constant 0 : i32
    %c0_i32_0 = arith.constant 0 : i32
    %c0_i32_1 = arith.constant 0 : i32
    return %c0_i32, %c0_i32_0 : i32, i32
  }
  func.func @transform_5(%arg0: i32) -> (i32, i32) {
    %c0_i32 = arith.constant 0 : i32
    %c0_i32_0 = arith.constant 0 : i32
    return %arg0, %c0_i32 : i32, i32
  }
}

</mosaic_0001>

<sc_bundles>
// kernel: kernel.12.cloned.1.call-start
scs
__scs_entry_jumppad:
0x0: {  	(pc) =	sbr.rel $0x88, $3  }
0x1: {  	(tag) =	ssettag $0x0;
	lr =	simm.s32 $0x1  }
0x2: {  	[smem:$0x3F9B] =	sst lr;
	_ =	strace $0xD0000000  }
0x3: {  	_ = 	snop  }
0x4: {  	_ = 	snop  }
0x5: {  	_ = 	snop  }
0x6: {  	_ = 	snop  }
0x7: {  	_ = 	snop  }
__scs_overlays_trampoline_lowered:
0x8: {  	[smem:$0x3FAA] =	sst s0  }
0x9: {  	[smem:$0x3FAB] =	sst s1  }
0xa: {  	[smem:$0x3FAC] =	sst s2  }
0xb: {  	[smem:$0x3FAD] =	sst s3  }
0xc: {  	[smem:$0x3FAE] =	sst s4  }
0xd: {  	[smem:$0x3FAF] =	sst s5  }
0xe: {  	[smem:$0x3FB0] =	sst s6  }
0xf: {  	[smem:$0x3FB1] =	sst s7  }
0x10: {  	[smem:$0x3FB2] =	sst s8  }
0x11: {  	[smem:$0x3FB3] =	sst s9;
	s0 =	simm.s32 @!p0 $0x0  }
0x12: {  	s1 =	sld [smem:$0x3F99];
	s0 =	simm.s32 @p0 $0x1  }
0x13: {  	[smem:$0x3FB4] =	sst s0;
	s0 =	simm.s32 @!p1 $0x0  }
0x14: {  	s2 =	sld [smem:$0x3F98];
	s0 =	simm.s32 @p1 $0x1  }
0x15: {  	[smem:$0x3FB5] =	sst s0;
	s0 =	simm.s32 @!p2 $0x0  }
0x16: {  	s3 =	sld [smem:$0x3FDB];
	s0 =	simm.s32 @p2 $0x1  }
0x17: {  	s4 =	simm.s32 $0x1BF5;
	[smem:$0x3FB7] =	sst s0  }
0x18: {  	s0 =	sld [smem:$0x3F9A];
	_ =	swait.ge [sflag:s4], $0x0  }
0x19: {  	s7 =	sld [smem:$0x3F9B]  }
0x1a: {  	s8 =	sadd.s32 $0xFFFFE003, lr  }
0x1b: {  	s9 =	sadd.s32 $0xFFFFFEF7, lr;
	s5 =	simm.s32 $0xFFFFFFFF;
	p2 =	slt.u32 s8, $0xFFFFF086  }
0x1c: {  	p1 =	slt.u32 s9, $0xF7A;
	s5 =	simm.s32 @!p2 $0x0  }
0x1d: {  	s5 =	simm.s32 @p1 $0x1;
	p0 =	seq.s32 s7, s2  }
0x1e: {  	s7 =	smul.u32 @!p0 $0xF7A, s2;
	p2 =	seq.s32 @!p0 s5, $0x0  }
0x1f: {  	s9 =	smul.u32 $0xF7A, s1;
	s8 =	simm.s32 @!p0 $0x1BF5;
	p2 =	por !p2, p0  }
0x20: {  	[sflag:s8] =	ssyncset.s32 @!p0 $0xFFFFF086;
	s6 =	sadd.s32 @!p0 s3, s7;
	s7 =	simm.s32 @!p0 $0x108  }
0x21: {  	s3 =	sadd.s32 s3, s9;
	s6 =	sadd.s32 @!p0 $0x88, s6;
	s7 =	simm.s32 @p2 $0x1082  }
0x22: {  	[simem:s7], [sflag:s8] =	dma.local @!p0 [hbm:s6], $0xF7A  }
0x23: {  	s9 =	sor.u32 $0xD0000000, s2;
	s6 =	simm.s32 $0x108;
	_ =	swait.ge @!p0 [sflag:s8], $0x0  }
0x24: {  	s3 =	sadd.s32 $0x88, s3;
	s6 =	simm.s32 @!p1 $0x1082;
	[sflag:s4] =	ssyncset.s32 $0xFFFFF086  }
0x25: {  	[simem:s6], [sflag:s4] =	dma.local [hbm:s3], $0xF7A  }
0x26: {  	[smem:$0x3F9B] =	sst s1;
	(tag) =	ssettag s2;
	_ =	strace s9  }
0x27: {  	s1 =	sld [smem:$0x3FAB]  }
0x28: {  	s2 =	sld [smem:$0x3FAC]  }
0x29: {  	s4 =	sld [smem:$0x3FAE]  }
0x2a: {  	p0 =	seq.s32 s5, $0x0;
	s5 =	sld [smem:$0x3FAF]  }
0x2b: {  	s6 =	sld [smem:$0x3FB0]  }
0x2c: {  	s7 =	sld [smem:$0x3FB1]  }
0x2d: {  	s3 =	simm.s32 $0x108;
	s8 =	sld [smem:$0x3FB2]  }
0x2e: {  	s3 =	simm.s32 @!p0 $0x1082;
	s9 =	sld [smem:$0x3FB3]  }
0x2f: {  	lr =	sadd.s32 s0, s3;
	s0 =	sld [smem:$0x3FAA]  }
0x30: {  	s3 =	sld [smem:$0x3FAD]  }
0x31: {  	[smem:$0x3FB6] =	sst s10  }
0x32: {  	s10 =	sld [smem:$0x3FB4];
	_ =	sdelay $0x3  }
0x33: {  	p0 =	seq.s32 s10, $0x1;
	s10 =	sld [smem:$0x3FB6];
	_ =	sdelay $0x3  }
0x34: {  	[smem:$0x3FB6] =	sst s10  }
0x35: {  	s10 =	sld [smem:$0x3FB5];
	_ =	sdelay $0x3  }
0x36: {  	p1 =	seq.s32 s10, $0x1;
	s10 =	sld [smem:$0x3FB6];
	_ =	sdelay $0x3  }
0x37: {  	[smem:$0x3FB6] =	sst s10  }
0x38: {  	s10 =	sld [smem:$0x3FB7]  }
0x39: {  	_ = 	snop;
	(pc) =	sbr.ind lr, $3  }
0x3a: {  	_ = 	snop  }
0x3b: {  	_ = 	snop  }
0x3c: {  	p2 =	seq.s32 s10, $0x1;
	s10 =	sld [smem:$0x3FB6]  }
0x3d: {  	_ =	shalt  }
0x3e: {  	_ =	shalt  }
0x3f: {  	_ =	shalt  }
0x40: {  	_ =	shalt  }
0x41: {  	_ =	shalt  }
0x42: {  	_ =	shalt  }
0x43: {  	_ =	shalt  }
0x44: {  	_ =	shalt  }
0x45: {  	_ =	shalt  }
0x46: {  	_ =	shalt  }
0x47: {  	_ =	shalt  }
0x48: {  	_ =	shalt  }
0x49: {  	_ =	shalt  }
0x4a: {  	_ =	shalt  }
0x4b: {  	_ =	shalt  }
0x4c: {  	_ =	shalt  }
0x4d: {  	_ =	shalt  }
0x4e: {  	_ =	shalt  }
0x4f: {  	_ =	shalt  }
0x50: {  	_ =	shalt  }
0x51: {  	_ =	shalt  }
0x52: {  	_ =	shalt  }
0x53: {  	_ =	shalt  }
0x54: {  	_ =	shalt  }
0x55: {  	_ =	shalt  }
0x56: {  	_ =	shalt  }
0x57: {  	_ =	shalt  }
0x58: {  	_ =	shalt  }
0x59: {  	_ =	shalt  }
0x5a: {  	_ =	shalt  }
0x5b: {  	_ =	shalt  }
0x5c: {  	_ =	shalt  }
0x5d: {  	_ =	shalt  }
0x5e: {  	_ =	shalt  }
0x5f: {  	_ =	shalt  }
0x60: {  	_ =	shalt  }
0x61: {  	_ =	shalt  }
0x62: {  	_ =	shalt  }
0x63: {  	_ =	shalt  }
0x64: {  	_ =	shalt  }
0x65: {  	_ =	shalt  }
0x66: {  	_ =	shalt  }
0x67: {  	_ =	shalt  }
0x68: {  	_ =	shalt  }
0x69: {  	_ =	shalt  }
0x6a: {  	_ =	shalt  }
0x6b: {  	_ =	shalt  }
0x6c: {  	_ =	shalt  }
0x6d: {  	_ =	shalt  }
0x6e: {  	_ =	shalt  }
0x6f: {  	_ =	shalt  }
0x70: {  	_ =	shalt  }
0x71: {  	_ =	shalt  }
0x72: {  	_ =	shalt  }
0x73: {  	_ =	shalt  }
0x74: {  	_ =	shalt  }
0x75: {  	_ =	shalt  }
0x76: {  	_ =	shalt  }
0x77: {  	_ =	shalt  }
0x78: {  	_ =	shalt  }
0x79: {  	_ =	shalt  }
0x7a: {  	_ =	shalt  }
0x7b: {  	_ =	shalt  }
0x7c: {  	_ =	shalt  }
0x7d: {  	_ =	shalt  }
0x7e: {  	_ =	shalt  }
0x7f: {  	_ =	shalt  }
0x80: {  	_ =	shalt  }
0x81: {  	_ =	shalt  }
0x82: {  	_ =	shalt  }
0x83: {  	_ =	shalt  }
0x84: {  	_ =	shalt  }
0x85: {  	_ =	shalt  }
0x86: {  	_ =	shalt  }
0x87: {  	_ =	shalt  }
.Lfunc_end0:
.L_simem_size_0:
called_computation.1_lowered:
.L_overlay_start_0:
0x88: {  	s2 =	sld [smem:$0x3FD9]  }
0x89: {  	s3 =	sld [smem:$0x3FFE];
	_ =	sdelay $0x1  }
0x8a: {  	s1 =	srdreg.scid  }
0x8b: {  	s0 =	sand.u32 $0x1, s1  }
0x8c: {  	s17 =	sshll.u32 s0, $0xA;
	s2 =	sadd.s32 s3, s2  }
0x8d: {  	s2 =	sadd.s32 s2, s17  }
0x8e: {  	[smem:$0x3FC2] =	sst s2  }
0x8f: {  	_ = 	snop  }
0x90: {  	s2 =	sld [smem:$0x3FD0];
	(tm) =	ssettm $0x1  }
0x91: {  	s18 =	sld [smem:$0x3FFB];
	_ =	sdelay $0x3  }
0x92: {  	_ =	strace s18  }
0x93: {  	s3 =	sld [smem:$0x3FFC];
	_ =	sdelay $0x3  }
0x94: {  	_ =	strace s3  }
0x95: {  	s3 =	sld [smem:$0x3FFD];
	_ =	sdelay $0x3  }
0x96: {  	_ =	strace s3  }
0x97: {  	_ =	strace $0x8FFFFFFF  }
0x98: {  	s19 =	sld [smem:$0x3FDB];
	_ =	sdelay $0x1  }
0x99: {  	s4 =	simm.s32 $_scs_section_size  }
0x9a: {  	s5 =	simm.s32 $_size__tile_overlayer_lowered;
	s6 =	simm.s32 $_tile_overlayer_lowered  }
0x9b: {  	s22 =	simm.s32 $0x1BFF;
	s21 =	sshll.u32 s6, $0x1;
	s3 =	sadd.s32 s4, s19  }
0x9c: {  	s7 =	simm.s32 $0x0;
	s20 =	sshll.u32 s5, $0x1;
	s5 =	sadd.s32 s21, s3  }
0x9d: {  	[timem:s7], [sflag:s22] =	dma.local [hbm:s5], s20  }
0x9e: {  	_ =	swait.ge [sflag:s22], s20  }
0x9f: {  	s4 =	ssub.s32 $0x0, s20;
	[sflag:s22] =	ssyncset.done $0x0  }
0xa0: {  	[sflag:s22] =	ssyncadd.s32 s4;
	_ =	sdelay $0x1  }
0xa1: {  	s23 =	simm.s32 $0x1B8B  }
0xa2: {  	_ =	swait.ge [sflag:s23], $0x1  }
0xa3: {  	[sflag:s23] =	ssyncset.done $0x0  }
0xa4: {  	s25 =	simm.s32 $0x1B8E;
	s24 =	sld [smem:$0x3FFE];
	[sflag:s23] =	ssyncadd.s32 $0xFFFFFFFF  }
0xa5: {  	s26 =	simm.s32 $execute0_lowered;
	[smem:$0x3FD2] =	sst s25  }
0xa6: {  	s5 =	sshll.u32 s26, $0x1;
	_ =	strace $0x80000049;
	[dreg:$0x1] =	wrdreg $0xFFFFFFFF  }
0xa7: {  	s28 =	simm.s32 $_size_execute0_lowered;
	s3 =	sadd.s32 s3, s5;
	[dreg:$0x0] =	wrdreg $0x0  }
0xa8: {  	s5 =	sshll.u32 s28, $0x1;
	[dreg:$0x2] =	wrdreg s3  }
0xa9: {  	[dreg:$0x3] =	wrdreg s5  }
0xaa: {  	[dreg:$0x4] =	wrdreg $0xC0  }
0xab: {  	_ =	task [dreg:s7], $0x5FFFF  }
0xac: {  	[dreg:$0x1] =	wrdreg $0xFFFFFFFF  }
0xad: {  	[dreg:$0x0] =	wrdreg $0x60  }
0xae: {  	[dreg:$0x2] =	wrdreg s24  }
0xaf: {  	[dreg:$0x3] =	wrdreg s2  }
0xb0: {  	[dreg:$0x4] =	wrdreg $0x8F000  }
0xb1: {  	[dreg:$0x5] =	wrdreg $0x9  }
0xb2: {  	_ =	task.clear_ibuf [dreg:s7], $0x6FFFF;
	_ =	strace $0x90000049  }
0xb3: {  	s29 =	simm.s32 $0x9;
	_ =	strace $0x8000004B  }
0xb4: {  	_ =	swait.ge [sflag:s29], $0x1  }
0xb5: {  	[sflag:s29] =	ssyncadd.s32 $0xFFFFFFFF  }
0xb6: {  	_ =	strace $0x9000004B  }
0xb7: {  	_ =	sfence  }
0xb8: {  	s30 =	sld [smem:$0x0];
	_ =	sdelay $0x2  }
0xb9: {  	s31 =	sshll.u32 s1, $0xD;
	s1 =	sshrl.u32 s1, $0x2  }
0xba: {  	s3 =	sand.u32 $0x4000, s31;
	s1 =	sadd.s32 s1, s30  }
0xbb: {  	s0 =	sor.u32 s3, s0;
	s1 =	sshll.u32 s1, $0x11  }
0xbc: {  	s0 =	sor.u32 s1, s0  }
0xbd: {  	s0 =	sadd.s32 $0x8F2B, s0  }
0xbe: {  	[sflag:s0] =	ssyncadd.remote.s32 $0x1  }
0xbf: {  	_ =	sfence.sel $0xFFFF  }
0xc0: {  	[dreg:$0x0] =	wrdreg $0xFFFFFFFF;
	(pc) =	sbr.abs _section_cstart, $3  }
0xc1: {  	[dreg:$0x1] =	wrdreg $0xFFFFFFFF  }
0xc2: {  	_ =	task.clear_ibuf [dreg:s7], $0x2FFFF;
	_ =	strace $0x9FFFFFFF  }
0xc3: {  	(tm) =	ssettm $0x7FFFFFFF  }
tec
execute0_lowered:
.L_overlay_start_1:
0x0: {  	(tag) =	ssettag $0x1  }
0x1: {  	s6 =	rddreg [dreg:$0x0]  }
0x2: {  	s8 =	rddreg [dreg:$0x1]  }
0x3: {  	s0 =	srdreg.scid;
	s2 =	rddreg [dreg:$0x2]  }
0x4: {  	s3 =	simm.s32 $0x0;
	s14 =	simm.s32 $0x80;
	s15 =	simm.s32 $0x4F00  }
0x5: {  	s16 =	simm.s32 $0x1;
	s17 =	simm.s32 $0x2;
	s18 =	simm.s32 $0x4E80  }
0x6: {  	s19 =	simm.s32 $0x0;
	s5 =	sand.u32 $0x1, s0;
	s0 =	stileid.u32  }
0x7: {  	[smem:$0x7FF] =	sst s3;
	s4 =	sadd.s32 $0x3D600, s6;
	s7 =	smul.u32 $0x9E00, s0  }
0x8: {  	s1 =	sshll.u32 s5, $0x4;
	s10 =	smul.u32 $0x9E000, s5;
	s12 =	ssub.s32 $0x2, s5  }
0x9: {  	s5 =	sadd.s32 $0x29200, s6;
	s30 =	sshll.u32 s0, $0x6;
	s1 =	sor.u32 s0, s1  }
0xa: {  	s13 =	sshrl.u32 s12, $0x1;
	s9 =	smul.u32 $0x4F0, s1;
	s1 =	rddreg [dreg:$0x3]  }
0xb: {  	_ =	strace $0x8000004A;
	s10 =	sadd.s32 s7, s10;
	s12 =	ssub.s32 s12, s13  }
0xc: {  	s31 =	sadd.s32 s7, s2;
	s13 =	simm.s32 $0x2780;
	s10 =	sshrl.u32 s10, $0x3  }
0xd: {  	s11 =	sadd.s32 s9, s6;
	s10 =	sadd.s32 s10, s6;
	s6 =	sor.u32 $0x1C03, s30  }
0xe: {  	s8 =	sadd.s32 s8, s9;
	s7 =	sadd.s32 $0x33800, s11;
	s9 =	sadd.s32 $0x51000, s10  }
0xf: {  	s10 =	smax.u32 s12, $0x1;
	s11 =	sshrl.u32 s31, $0x3;
	s12 =	simm.s32 $0x3  }
.LBB2_1:
0x10: {  	[spmem:s11], [sflag:s6] =	dma.local [hbm:s5], $0x13C0  }
0x11: {  	_ =	swait.ge [sflag:s12], $0x13C0  }
0x12: {  	[sflag:s12] =	ssyncset.done $0x0  }
0x13: {  	[sflag:s12] =	ssyncadd.s32 $0xFFFFEC40  }
0x14: {  	[tilespmem:s3], [sflag:$0x3] =	stream.linear.gather [hbm4b:s7+s3], $0x2780, $0x38;
	[tilespmem:$0x12D00] =	vst v63  }
0x15: {  	_ =	swait.ge [sflag:s12], $0x2780  }
0x16: {  	[sflag:s12] =	ssyncset.done $0x0  }
0x17: {  	[sflag:s12] =	ssyncadd.s32 $0xFFFFD880  }
0x18: {  	[tilespmem:s13], [sflag:$0x3] =	stream.linear.gather [hbm4b:s8+s3], $0x2780, $0x38;
	[tilespmem:$0x12D00] =	vst v63  }
0x19: {  	_ =	swait.ge [sflag:s12], $0x2780  }
0x1a: {  	[sflag:s12] =	ssyncset.done $0x0  }
0x1b: {  	[sflag:s12] =	ssyncadd.s32 $0xFFFFD880  }
0x1c: {  	[bflag:$0x0] =	sbarrier.arrive $0xFFFF  }
0x1d: {  	[tilespmem:s15], [sflag:$0x1] =	stream.indirect.gather [hbm4b:s4+s14], $0x40, s3, s14, $0xb8;
	[tilespmem:$0x12D00] =	vst v63  }
0x1e: {  	_ =	swait.ge [sflag:s16], $0x2000  }
0x1f: {  	[sflag:s16] =	ssyncset.done $0x0  }
0x20: {  	s20 =	simm.s32 $0x6F00;
	[sflag:s16] =	ssyncadd.s32 $0xFFFFE000  }
0x21: {  	[tilespmem:s20], [sflag:$0x1] =	stream.indirect.gather [hbm4b:s4+s14], $0x40, s14, s14, $0xb8;
	[tilespmem:$0x12D00] =	vst v63  }
0x22: {  	_ = 	snop  }
0x23: {  	[spmem:s2] =	stream.indirect.scatter.add.f32 [tilespmem:s15], [sflag:$0x2], $0x40, s13, s14, $0xb8;
	[tilespmem:$0x12D00] =	vst v63  }
0x24: {  	_ =	swait.ge [sflag:s16], $0x2000  }
0x25: {  	[sflag:s16] =	ssyncset.done $0x0  }
0x26: {  	[sflag:s16] =	ssyncadd.s32 $0xFFFFE000  }
0x27: {  	_ =	swait.ge [sflag:s17], $0x2000  }
0x28: {  	[sflag:s17] =	ssyncset.done $0x0  }
0x29: {  	s21 =	simm.s32 $0x100;
	s22 =	simm.s32 $0x4F00;
	[sflag:s17] =	ssyncadd.s32 $0xFFFFE000  }
0x2a: {  	[tilespmem:s22], [sflag:$0x1] =	stream.indirect.gather [hbm4b:s4+s14], $0x40, s21, s14, $0xb8;
	[tilespmem:$0x12D00] =	vst v63  }
0x2b: {  	s31 =	simm.s32 $0x2800  }
0x2c: {  	[spmem:s2] =	stream.indirect.scatter.add.f32 [tilespmem:s20], [sflag:$0x2], $0x40, s31, s14, $0xb8;
	[tilespmem:$0x12D00] =	vst v63  }
0x2d: {  	_ =	swait.ge [sflag:s16], $0x2000  }
0x2e: {  	s25 =	sand.u32 $0x1, s17;
	[sflag:s16] =	ssyncset.done $0x0  }
0x2f: {  	s23 =	simm.s32 $0x4;
	s24 =	sshll.u32 s25, $0xD;
	[sflag:s16] =	ssyncadd.s32 $0xFFFFE000  }
0x30: {  	s25 =	sshll.u32 s25, $0xD;
	s21 =	simm.s32 $0x180;
	_ =	swait.ge [sflag:s17], $0x2000  }
0x31: {  	s22 =	simm.s32 $0x2880;
	s20 =	simm.s32 $0x3;
	[sflag:s17] =	ssyncset.done $0x0  }
.LBB2_2:
0x32: {  	s24 =	ssub.s32 $0x6F00, s24;
	s25 =	sor.u32 $0x4F00, s25  }
0x33: {  	[sflag:s17] =	ssyncadd.s32 $0xFFFFE000;
	s26 =	smov.u32 s20;
	s20 =	smov.u32 s23  }
0x34: {  	[tilespmem:s24], [sflag:$0x1] =	stream.indirect.gather [hbm4b:s4+s14], $0x40, s21, s14, $0xb8;
	[tilespmem:$0x12D00] =	vst v63  }
0x35: {  	p0 =	sne.s32 s23, $0x4E;
	s23 =	sadd.s32 $0x1, s23  }
0x36: {  	[spmem:s2] =	stream.indirect.scatter.add.f32 [tilespmem:s25], [sflag:$0x2], $0x40, s22, s14, $0xb8;
	[tilespmem:$0x12D00] =	vst v63  }
.Ltmp0:
0x37: {  	_ =	swait.ge [sflag:s16], $0x2000;
	(pc) =	sbr.rel @p0 .LBB2_2-.Ltmp0, $4  }
0x38: {  	[sflag:s16] =	ssyncset.done $0x0  }
0x39: {  	s21 =	sadd.s32 $0x80, s21;
	s24 =	sand.u32 $0x1, s26;
	[sflag:s16] =	ssyncadd.s32 $0xFFFFE000  }
0x3a: {  	s24 =	sshll.u32 s24, $0xD;
	s22 =	sadd.s32 $0x80, s22;
	_ =	swait.ge [sflag:s17], $0x2000  }
0x3b: {  	s25 =	smov.u32 s24;
	[sflag:s17] =	ssyncset.done $0x0  }
0x3c: {  	s23 =	ssub.s32 $0x6F00, s24;
	[sflag:s17] =	ssyncadd.s32 $0xFFFFE000  }
0x3d: {  	[tilespmem:s23], [sflag:$0x1] =	stream.indirect.gather [hbm4b:s4+s14], $0x40, s21, s14, $0xb8;
	[tilespmem:$0x12D00] =	vst v63  }
0x3e: {  	s31 =	sor.u32 $0x4F00, s24  }
0x3f: {  	[spmem:s2] =	stream.indirect.scatter.add.f32 [tilespmem:s31], [sflag:$0x2], $0x40, s22, s14, $0xb8;
	[tilespmem:$0x12D00] =	vst v63  }
0x40: {  	_ =	swait.ge [sflag:s16], $0x2000  }
0x41: {  	[sflag:s16] =	ssyncset.done $0x0  }
0x42: {  	[sflag:s16] =	ssyncadd.s32 $0xFFFFE000  }
0x43: {  	s20 =	sand.u32 $0x1, s20;
	_ =	swait.ge [sflag:s17], $0x2000  }
0x44: {  	s20 =	sshll.u32 s20, $0xD;
	[sflag:s17] =	ssyncset.done $0x0  }
0x45: {  	s20 =	sor.u32 $0x4F00, s20;
	[sflag:s17] =	ssyncadd.s32 $0xFFFFE000  }
0x46: {  	[spmem:s2] =	stream.indirect.scatter.add.f32 [tilespmem:s20], [sflag:$0x2], $0x40, s18, s14, $0xb8;
	[tilespmem:$0x12D00] =	vst v63  }
0x47: {  	_ =	swait.ge [sflag:s17], $0x2000  }
0x48: {  	s19 =	sadd.s32 $0x1, s19;
	[sflag:s17] =	ssyncset.done $0x0  }
0x49: {  	p0 =	sne.s32 s19, s10;
	[sflag:s17] =	ssyncadd.s32 $0xFFFFE000  }
.Ltmp1:
0x4a: {  	[bflag:$0x0] =	sbarrier.arrive $0xFFFF;
	(pc) =	sbr.rel @p0 .LBB2_1-.Ltmp1, $4  }
0x4b: {  	[hbm:s9], [sflag:s6] =	dma.local [spmem:s11], $0x13C0  }
0x4c: {  	_ =	swait.ge [sflag:s12], $0x13C0  }
0x4d: {  	[sflag:s12] =	ssyncset.done $0x0  }
0x4e: {  	[sflag:s12] =	ssyncadd.s32 $0xFFFFEC40  }
0x4f: {  	_ =	sfence.sel $0x180000  }
0x50: {  	[bflag:$0x0] =	sbarrier.arrive $0xFFFF  }
0x51: {  	p0 =	sne.s32 s0, $0x0;
	_ =	strace $0x9000004A  }
0x52: {  	s0 =	sadd.s32 @!p0 $0x100000, s1;
	[bflag:$0x2] =	sbarrier.arrive $0xFFFF  }
0x53: {  	[sflag:s0] =	ssyncadd.tile.s32 @!p0 $0x1;
	_ =	shalt  }
.Lfunc_end2:
_tile_overlayer_lowered:
.L_overlay_start_2:
0x54: {  	(tag) =	ssettag $0x2  }
0x55: {  	s0 =	rddreg [dreg:$0x0];
	s2 =	stileid.u32  }
0x56: {  	s1 =	rddreg [dreg:$0x1];
	p0 =	sne.s32 s2, $0x0  }
0x57: {  	s3 =	rddreg [dreg:$0x2];
	[bflag:$0x3] =	sbarrier.arrive $0xFFFF;
	s2 =	simm.s32 @!p0 $0x1C03  }
0x58: {  	[timem:s3], [sflag:s2] =	dma.local @!p0 [hbm:s0], s1  }
0x59: {  	s0 =	simm.s32 @!p0 $0x3  }
0x5a: {  	_ =	swait.ge @!p0 [sflag:s0], s1  }
0x5b: {  	s1 =	ssub.s32 @!p0 $0x0, s1;
	[sflag:s0] =	ssyncset.done @!p0 $0x0  }
0x5c: {  	[sflag:s0] =	ssyncadd.s32 @!p0 s1  }
0x5d: {  	[bflag:$0x3] =	sbarrier.arrive $0xFFFF  }
0x5e: {  	_ =	shalt  }

// kernel: kernel.15.cloned.1.call-start
scs
__scs_entry_jumppad:
0x0: {  	(pc) =	sbr.rel $0x88, $3  }
0x1: {  	(tag) =	ssettag $0x0;
	lr =	simm.s32 $0x1  }
0x2: {  	[smem:$0x3F9B] =	sst lr;
	_ =	strace $0xD0000000  }
0x3: {  	_ = 	snop  }
0x4: {  	_ = 	snop  }
0x5: {  	_ = 	snop  }
0x6: {  	_ = 	snop  }
0x7: {  	_ = 	snop  }
__scs_overlays_trampoline_lowered:
0x8: {  	[smem:$0x3FAA] =	sst s0  }
0x9: {  	[smem:$0x3FAB] =	sst s1  }
0xa: {  	[smem:$0x3FAC] =	sst s2  }
0xb: {  	[smem:$0x3FAD] =	sst s3  }
0xc: {  	[smem:$0x3FAE] =	sst s4  }
0xd: {  	[smem:$0x3FAF] =	sst s5  }
0xe: {  	[smem:$0x3FB0] =	sst s6  }
0xf: {  	[smem:$0x3FB1] =	sst s7  }
0x10: {  	[smem:$0x3FB2] =	sst s8  }
0x11: {  	[smem:$0x3FB3] =	sst s9;
	s0 =	simm.s32 @!p0 $0x0  }
0x12: {  	s1 =	sld [smem:$0x3F99];
	s0 =	simm.s32 @p0 $0x1  }
0x13: {  	[smem:$0x3FB4] =	sst s0;
	s0 =	simm.s32 @!p1 $0x0  }
0x14: {  	s2 =	sld [smem:$0x3F98];
	s0 =	simm.s32 @p1 $0x1  }
0x15: {  	[smem:$0x3FB5] =	sst s0;
	s0 =	simm.s32 @!p2 $0x0  }
0x16: {  	s3 =	sld [smem:$0x3FDB];
	s0 =	simm.s32 @p2 $0x1  }
0x17: {  	s4 =	simm.s32 $0x1BF5;
	[smem:$0x3FB7] =	sst s0  }
0x18: {  	s0 =	sld [smem:$0x3F9A];
	_ =	swait.ge [sflag:s4], $0x0  }
0x19: {  	s7 =	sld [smem:$0x3F9B]  }
0x1a: {  	s8 =	sadd.s32 $0xFFFFE003, lr  }
0x1b: {  	s9 =	sadd.s32 $0xFFFFFEF7, lr;
	s5 =	simm.s32 $0xFFFFFFFF;
	p2 =	slt.u32 s8, $0xFFFFF086  }
0x1c: {  	p1 =	slt.u32 s9, $0xF7A;
	s5 =	simm.s32 @!p2 $0x0  }
0x1d: {  	s5 =	simm.s32 @p1 $0x1;
	p0 =	seq.s32 s7, s2  }
0x1e: {  	s7 =	smul.u32 @!p0 $0xF7A, s2;
	p2 =	seq.s32 @!p0 s5, $0x0  }
0x1f: {  	s9 =	smul.u32 $0xF7A, s1;
	s8 =	simm.s32 @!p0 $0x1BF5;
	p2 =	por !p2, p0  }
0x20: {  	[sflag:s8] =	ssyncset.s32 @!p0 $0xFFFFF086;
	s6 =	sadd.s32 @!p0 s3, s7;
	s7 =	simm.s32 @!p0 $0x108  }
0x21: {  	s3 =	sadd.s32 s3, s9;
	s6 =	sadd.s32 @!p0 $0x88, s6;
	s7 =	simm.s32 @p2 $0x1082  }
0x22: {  	[simem:s7], [sflag:s8] =	dma.local @!p0 [hbm:s6], $0xF7A  }
0x23: {  	s9 =	sor.u32 $0xD0000000, s2;
	s6 =	simm.s32 $0x108;
	_ =	swait.ge @!p0 [sflag:s8], $0x0  }
0x24: {  	s3 =	sadd.s32 $0x88, s3;
	s6 =	simm.s32 @!p1 $0x1082;
	[sflag:s4] =	ssyncset.s32 $0xFFFFF086  }
0x25: {  	[simem:s6], [sflag:s4] =	dma.local [hbm:s3], $0xF7A  }
0x26: {  	[smem:$0x3F9B] =	sst s1;
	(tag) =	ssettag s2;
	_ =	strace s9  }
0x27: {  	s1 =	sld [smem:$0x3FAB]  }
0x28: {  	s2 =	sld [smem:$0x3FAC]  }
0x29: {  	s4 =	sld [smem:$0x3FAE]  }
0x2a: {  	p0 =	seq.s32 s5, $0x0;
	s5 =	sld [smem:$0x3FAF]  }
0x2b: {  	s6 =	sld [smem:$0x3FB0]  }
0x2c: {  	s7 =	sld [smem:$0x3FB1]  }
0x2d: {  	s3 =	simm.s32 $0x108;
	s8 =	sld [smem:$0x3FB2]  }
0x2e: {  	s3 =	simm.s32 @!p0 $0x1082;
	s9 =	sld [smem:$0x3FB3]  }
0x2f: {  	lr =	sadd.s32 s0, s3;
	s0 =	sld [smem:$0x3FAA]  }
0x30: {  	s3 =	sld [smem:$0x3FAD]  }
0x31: {  	[smem:$0x3FB6] =	sst s10  }
0x32: {  	s10 =	sld [smem:$0x3FB4];
	_ =	sdelay $0x3  }
0x33: {  	p0 =	seq.s32 s10, $0x1;
	s10 =	sld [smem:$0x3FB6];
	_ =	sdelay $0x3  }
0x34: {  	[smem:$0x3FB6] =	sst s10  }
0x35: {  	s10 =	sld [smem:$0x3FB5];
	_ =	sdelay $0x3  }
0x36: {  	p1 =	seq.s32 s10, $0x1;
	s10 =	sld [smem:$0x3FB6];
	_ =	sdelay $0x3  }
0x37: {  	[smem:$0x3FB6] =	sst s10  }
0x38: {  	s10 =	sld [smem:$0x3FB7]  }
0x39: {  	_ = 	snop;
	(pc) =	sbr.ind lr, $3  }
0x3a: {  	_ = 	snop  }
0x3b: {  	_ = 	snop  }
0x3c: {  	p2 =	seq.s32 s10, $0x1;
	s10 =	sld [smem:$0x3FB6]  }
0x3d: {  	_ =	shalt  }
0x3e: {  	_ =	shalt  }
0x3f: {  	_ =	shalt  }
0x40: {  	_ =	shalt  }
0x41: {  	_ =	shalt  }
0x42: {  	_ =	shalt  }
0x43: {  	_ =	shalt  }
0x44: {  	_ =	shalt  }
0x45: {  	_ =	shalt  }
0x46: {  	_ =	shalt  }
0x47: {  	_ =	shalt  }
0x48: {  	_ =	shalt  }
0x49: {  	_ =	shalt  }
0x4a: {  	_ =	shalt  }
0x4b: {  	_ =	shalt  }
0x4c: {  	_ =	shalt  }
0x4d: {  	_ =	shalt  }
0x4e: {  	_ =	shalt  }
0x4f: {  	_ =	shalt  }
0x50: {  	_ =	shalt  }
0x51: {  	_ =	shalt  }
0x52: {  	_ =	shalt  }
0x53: {  	_ =	shalt  }
0x54: {  	_ =	shalt  }
0x55: {  	_ =	shalt  }
0x56: {  	_ =	shalt  }
0x57: {  	_ =	shalt  }
0x58: {  	_ =	shalt  }
0x59: {  	_ =	shalt  }
0x5a: {  	_ =	shalt  }
0x5b: {  	_ =	shalt  }
0x5c: {  	_ =	shalt  }
0x5d: {  	_ =	shalt  }
0x5e: {  	_ =	shalt  }
0x5f: {  	_ =	shalt  }
0x60: {  	_ =	shalt  }
0x61: {  	_ =	shalt  }
0x62: {  	_ =	shalt  }
0x63: {  	_ =	shalt  }
0x64: {  	_ =	shalt  }
0x65: {  	_ =	shalt  }
0x66: {  	_ =	shalt  }
0x67: {  	_ =	shalt  }
0x68: {  	_ =	shalt  }
0x69: {  	_ =	shalt  }
0x6a: {  	_ =	shalt  }
0x6b: {  	_ =	shalt  }
0x6c: {  	_ =	shalt  }
0x6d: {  	_ =	shalt  }
0x6e: {  	_ =	shalt  }
0x6f: {  	_ =	shalt  }
0x70: {  	_ =	shalt  }
0x71: {  	_ =	shalt  }
0x72: {  	_ =	shalt  }
0x73: {  	_ =	shalt  }
0x74: {  	_ =	shalt  }
0x75: {  	_ =	shalt  }
0x76: {  	_ =	shalt  }
0x77: {  	_ =	shalt  }
0x78: {  	_ =	shalt  }
0x79: {  	_ =	shalt  }
0x7a: {  	_ =	shalt  }
0x7b: {  	_ =	shalt  }
0x7c: {  	_ =	shalt  }
0x7d: {  	_ =	shalt  }
0x7e: {  	_ =	shalt  }
0x7f: {  	_ =	shalt  }
0x80: {  	_ =	shalt  }
0x81: {  	_ =	shalt  }
0x82: {  	_ =	shalt  }
0x83: {  	_ =	shalt  }
0x84: {  	_ =	shalt  }
0x85: {  	_ =	shalt  }
0x86: {  	_ =	shalt  }
0x87: {  	_ =	shalt  }
.Lfunc_end0:
.L_simem_size_0:
called_computation.2_lowered:
.L_overlay_start_0:
0x88: {  	s2 =	sld [smem:$0x3FD9]  }
0x89: {  	s3 =	sld [smem:$0x3FFE];
	_ =	sdelay $0x1  }
0x8a: {  	s1 =	srdreg.scid  }
0x8b: {  	s0 =	sand.u32 $0x1, s1  }
0x8c: {  	s17 =	sshll.u32 s0, $0xA;
	s2 =	sadd.s32 s3, s2  }
0x8d: {  	s2 =	sadd.s32 s2, s17  }
0x8e: {  	[smem:$0x3FC2] =	sst s2  }
0x8f: {  	_ = 	snop  }
0x90: {  	s2 =	sld [smem:$0x3FD0];
	(tm) =	ssettm $0x1  }
0x91: {  	s18 =	sld [smem:$0x3FFB];
	_ =	sdelay $0x3  }
0x92: {  	_ =	strace s18  }
0x93: {  	s3 =	sld [smem:$0x3FFC];
	_ =	sdelay $0x3  }
0x94: {  	_ =	strace s3  }
0x95: {  	s3 =	sld [smem:$0x3FFD];
	_ =	sdelay $0x3  }
0x96: {  	_ =	strace s3  }
0x97: {  	_ =	strace $0x8FFFFFFF  }
0x98: {  	s19 =	sld [smem:$0x3FDB];
	_ =	sdelay $0x1  }
0x99: {  	s4 =	simm.s32 $_scs_section_size  }
0x9a: {  	s5 =	simm.s32 $_size__tile_overlayer_lowered;
	s6 =	simm.s32 $_tile_overlayer_lowered  }
0x9b: {  	s22 =	simm.s32 $0x1BFF;
	s21 =	sshll.u32 s6, $0x1;
	s3 =	sadd.s32 s4, s19  }
0x9c: {  	s7 =	simm.s32 $0x0;
	s20 =	sshll.u32 s5, $0x1;
	s5 =	sadd.s32 s21, s3  }
0x9d: {  	[timem:s7], [sflag:s22] =	dma.local [hbm:s5], s20  }
0x9e: {  	_ =	swait.ge [sflag:s22], s20  }
0x9f: {  	s4 =	ssub.s32 $0x0, s20;
	[sflag:s22] =	ssyncset.done $0x0  }
0xa0: {  	[sflag:s22] =	ssyncadd.s32 s4;
	_ =	sdelay $0x1  }
0xa1: {  	s23 =	simm.s32 $0x1B8B  }
0xa2: {  	_ =	swait.ge [sflag:s23], $0x1  }
0xa3: {  	[sflag:s23] =	ssyncset.done $0x0  }
0xa4: {  	s25 =	simm.s32 $0x1B8E;
	s24 =	sld [smem:$0x3FFE];
	[sflag:s23] =	ssyncadd.s32 $0xFFFFFFFF  }
0xa5: {  	s26 =	simm.s32 $execute0_lowered;
	[smem:$0x3FD2] =	sst s25  }
0xa6: {  	s5 =	sshll.u32 s26, $0x1;
	_ =	strace $0x8000004C;
	[dreg:$0x1] =	wrdreg $0xFFFFFFFF  }
0xa7: {  	s28 =	simm.s32 $_size_execute0_lowered;
	s3 =	sadd.s32 s3, s5;
	[dreg:$0x0] =	wrdreg $0x0  }
0xa8: {  	s5 =	sshll.u32 s28, $0x1;
	[dreg:$0x2] =	wrdreg s3  }
0xa9: {  	[dreg:$0x3] =	wrdreg s5  }
0xaa: {  	[dreg:$0x4] =	wrdreg $0xC0  }
0xab: {  	_ =	task [dreg:s7], $0x5FFFF  }
0xac: {  	[dreg:$0x1] =	wrdreg $0xFFFFFFFF  }
0xad: {  	[dreg:$0x0] =	wrdreg $0x60  }
0xae: {  	[dreg:$0x2] =	wrdreg s24  }
0xaf: {  	[dreg:$0x3] =	wrdreg s2  }
0xb0: {  	[dreg:$0x4] =	wrdreg $0x6F000  }
0xb1: {  	[dreg:$0x5] =	wrdreg $0x9  }
0xb2: {  	_ =	task.clear_ibuf [dreg:s7], $0x6FFFF;
	_ =	strace $0x9000004C  }
0xb3: {  	s29 =	simm.s32 $0x9;
	_ =	strace $0x8000004E  }
0xb4: {  	_ =	swait.ge [sflag:s29], $0x1  }
0xb5: {  	[sflag:s29] =	ssyncadd.s32 $0xFFFFFFFF  }
0xb6: {  	_ =	strace $0x9000004E  }
0xb7: {  	_ =	sfence  }
0xb8: {  	s30 =	sld [smem:$0x0];
	_ =	sdelay $0x2  }
0xb9: {  	s31 =	sshll.u32 s1, $0xD;
	s1 =	sshrl.u32 s1, $0x2  }
0xba: {  	s3 =	sand.u32 $0x4000, s31;
	s1 =	sadd.s32 s1, s30  }
0xbb: {  	s0 =	sor.u32 s3, s0;
	s1 =	sshll.u32 s1, $0x11  }
0xbc: {  	s0 =	sor.u32 s1, s0  }
0xbd: {  	s0 =	sadd.s32 $0x8F2B, s0  }
0xbe: {  	[sflag:s0] =	ssyncadd.remote.s32 $0x1  }
0xbf: {  	_ =	sfence.sel $0xFFFF  }
0xc0: {  	[dreg:$0x0] =	wrdreg $0xFFFFFFFF;
	(pc) =	sbr.abs _section_cstart, $3  }
0xc1: {  	[dreg:$0x1] =	wrdreg $0xFFFFFFFF  }
0xc2: {  	_ =	task.clear_ibuf [dreg:s7], $0x2FFFF;
	_ =	strace $0x9FFFFFFF  }
0xc3: {  	(tm) =	ssettm $0x7FFFFFFF  }
tec
execute0_lowered:
.L_overlay_start_1:
0x0: {  	(tag) =	ssettag $0x1  }
0x1: {  	s6 =	rddreg [dreg:$0x0]  }
0x2: {  	s8 =	rddreg [dreg:$0x1]  }
0x3: {  	s0 =	srdreg.scid;
	s2 =	rddreg [dreg:$0x2]  }
0x4: {  	s3 =	simm.s32 $0x0;
	s14 =	simm.s32 $0x80;
	s15 =	simm.s32 $0x4F00  }
0x5: {  	s16 =	simm.s32 $0x1;
	s17 =	simm.s32 $0x2;
	s18 =	simm.s32 $0x4E80  }
0x6: {  	s19 =	simm.s32 $0x0;
	s5 =	sand.u32 $0x1, s0;
	s0 =	stileid.u32  }
0x7: {  	[smem:$0x7FF] =	sst s3;
	s4 =	sadd.s32 $0x29200, s6;
	s7 =	smul.u32 $0x4F00, s0  }
0x8: {  	s1 =	sshll.u32 s5, $0x4;
	s10 =	smul.u32 $0x4F000, s5;
	s12 =	ssub.s32 $0x2, s5  }
0x9: {  	s5 =	sadd.s32 $0x3D600, s6;
	s30 =	sshll.u32 s0, $0x6;
	s1 =	sor.u32 s0, s1  }
0xa: {  	s13 =	sshrl.u32 s12, $0x1;
	s9 =	smul.u32 $0x4F0, s1;
	s1 =	rddreg [dreg:$0x3]  }
0xb: {  	_ =	strace $0x8000004D;
	s10 =	sadd.s32 s7, s10;
	s12 =	ssub.s32 s12, s13  }
0xc: {  	s31 =	sadd.s32 s7, s2;
	s13 =	simm.s32 $0x2780;
	s10 =	sshrl.u32 s10, $0x3  }
0xd: {  	s11 =	sadd.s32 s9, s6;
	s10 =	sadd.s32 s10, s6;
	s6 =	sor.u32 $0x1C03, s30  }
0xe: {  	s8 =	sadd.s32 s8, s9;
	s7 =	sadd.s32 $0x33800, s11;
	s9 =	sadd.s32 $0x3E000, s10  }
0xf: {  	s10 =	smax.u32 s12, $0x1;
	s11 =	sshrl.u32 s31, $0x3;
	s12 =	simm.s32 $0x3  }
.LBB2_1:
0x10: {  	[spmem:s11], [sflag:s6] =	dma.local [hbm:s5], $0x9E0  }
0x11: {  	_ =	swait.ge [sflag:s12], $0x9E0  }
0x12: {  	[sflag:s12] =	ssyncset.done $0x0  }
0x13: {  	[sflag:s12] =	ssyncadd.s32 $0xFFFFF620  }
0x14: {  	[tilespmem:s3], [sflag:$0x3] =	stream.linear.gather [hbm4b:s7+s3], $0x2780, $0x38;
	[tilespmem:$0xBE00] =	vst v63  }
0x15: {  	_ =	swait.ge [sflag:s12], $0x2780  }
0x16: {  	[sflag:s12] =	ssyncset.done $0x0  }
0x17: {  	[sflag:s12] =	ssyncadd.s32 $0xFFFFD880  }
0x18: {  	[tilespmem:s13], [sflag:$0x3] =	stream.linear.gather [hbm4b:s8+s3], $0x2780, $0x38;
	[tilespmem:$0xBE00] =	vst v63  }
0x19: {  	_ =	swait.ge [sflag:s12], $0x2780  }
0x1a: {  	[sflag:s12] =	ssyncset.done $0x0  }
0x1b: {  	[sflag:s12] =	ssyncadd.s32 $0xFFFFD880  }
0x1c: {  	[bflag:$0x0] =	sbarrier.arrive $0xFFFF  }
0x1d: {  	[tilespmem:s15], [sflag:$0x1] =	stream.indirect.gather [hbm4b:s4+s14], $0x20, s3, s14, $0xb8;
	[tilespmem:$0xBE00] =	vst v63  }
0x1e: {  	_ =	swait.ge [sflag:s16], $0x1000  }
0x1f: {  	[sflag:s16] =	ssyncset.done $0x0  }
0x20: {  	s20 =	simm.s32 $0x5F00;
	[sflag:s16] =	ssyncadd.s32 $0xFFFFF000  }
0x21: {  	[tilespmem:s20], [sflag:$0x1] =	stream.indirect.gather [hbm4b:s4+s14], $0x20, s14, s14, $0xb8;
	[tilespmem:$0xBE00] =	vst v63  }
0x22: {  	_ = 	snop  }
0x23: {  	[spmem:s2] =	stream.indirect.scatter.add.f32 [tilespmem:s15], [sflag:$0x2], $0x20, s13, s14, $0xb8;
	[tilespmem:$0xBE00] =	vst v63  }
0x24: {  	_ =	swait.ge [sflag:s16], $0x1000  }
0x25: {  	[sflag:s16] =	ssyncset.done $0x0  }
0x26: {  	[sflag:s16] =	ssyncadd.s32 $0xFFFFF000  }
0x27: {  	_ =	swait.ge [sflag:s17], $0x1000  }
0x28: {  	[sflag:s17] =	ssyncset.done $0x0  }
0x29: {  	s21 =	simm.s32 $0x100;
	s22 =	simm.s32 $0x4F00;
	[sflag:s17] =	ssyncadd.s32 $0xFFFFF000  }
0x2a: {  	[tilespmem:s22], [sflag:$0x1] =	stream.indirect.gather [hbm4b:s4+s14], $0x20, s21, s14, $0xb8;
	[tilespmem:$0xBE00] =	vst v63  }
0x2b: {  	s31 =	simm.s32 $0x2800  }
0x2c: {  	[spmem:s2] =	stream.indirect.scatter.add.f32 [tilespmem:s20], [sflag:$0x2], $0x20, s31, s14, $0xb8;
	[tilespmem:$0xBE00] =	vst v63  }
0x2d: {  	_ =	swait.ge [sflag:s16], $0x1000  }
0x2e: {  	s25 =	sand.u32 $0x1, s17;
	[sflag:s16] =	ssyncset.done $0x0  }
0x2f: {  	s23 =	simm.s32 $0x4;
	s24 =	sshll.u32 s25, $0xC;
	[sflag:s16] =	ssyncadd.s32 $0xFFFFF000  }
0x30: {  	s25 =	sshll.u32 s25, $0xC;
	s21 =	simm.s32 $0x180;
	_ =	swait.ge [sflag:s17], $0x1000  }
0x31: {  	s22 =	simm.s32 $0x2880;
	s20 =	simm.s32 $0x3;
	[sflag:s17] =	ssyncset.done $0x0  }
.LBB2_2:
0x32: {  	s24 =	ssub.s32 $0x5F00, s24;
	s25 =	sor.u32 $0x4F00, s25  }
0x33: {  	[sflag:s17] =	ssyncadd.s32 $0xFFFFF000;
	s26 =	smov.u32 s20;
	s20 =	smov.u32 s23  }
0x34: {  	[tilespmem:s24], [sflag:$0x1] =	stream.indirect.gather [hbm4b:s4+s14], $0x20, s21, s14, $0xb8;
	[tilespmem:$0xBE00] =	vst v63  }
0x35: {  	p0 =	sne.s32 s23, $0x4E;
	s23 =	sadd.s32 $0x1, s23  }
0x36: {  	[spmem:s2] =	stream.indirect.scatter.add.f32 [tilespmem:s25], [sflag:$0x2], $0x20, s22, s14, $0xb8;
	[tilespmem:$0xBE00] =	vst v63  }
.Ltmp0:
0x37: {  	_ =	swait.ge [sflag:s16], $0x1000;
	(pc) =	sbr.rel @p0 .LBB2_2-.Ltmp0, $4  }
0x38: {  	[sflag:s16] =	ssyncset.done $0x0  }
0x39: {  	s21 =	sadd.s32 $0x80, s21;
	s24 =	sand.u32 $0x1, s26;
	[sflag:s16] =	ssyncadd.s32 $0xFFFFF000  }
0x3a: {  	s24 =	sshll.u32 s24, $0xC;
	s22 =	sadd.s32 $0x80, s22;
	_ =	swait.ge [sflag:s17], $0x1000  }
0x3b: {  	s25 =	smov.u32 s24;
	[sflag:s17] =	ssyncset.done $0x0  }
0x3c: {  	s23 =	ssub.s32 $0x5F00, s24;
	[sflag:s17] =	ssyncadd.s32 $0xFFFFF000  }
0x3d: {  	[tilespmem:s23], [sflag:$0x1] =	stream.indirect.gather [hbm4b:s4+s14], $0x20, s21, s14, $0xb8;
	[tilespmem:$0xBE00] =	vst v63  }
0x3e: {  	s31 =	sor.u32 $0x4F00, s24  }
0x3f: {  	[spmem:s2] =	stream.indirect.scatter.add.f32 [tilespmem:s31], [sflag:$0x2], $0x20, s22, s14, $0xb8;
	[tilespmem:$0xBE00] =	vst v63  }
0x40: {  	_ =	swait.ge [sflag:s16], $0x1000  }
0x41: {  	[sflag:s16] =	ssyncset.done $0x0  }
0x42: {  	[sflag:s16] =	ssyncadd.s32 $0xFFFFF000  }
0x43: {  	s20 =	sand.u32 $0x1, s20;
	_ =	swait.ge [sflag:s17], $0x1000  }
0x44: {  	s20 =	sshll.u32 s20, $0xC;
	[sflag:s17] =	ssyncset.done $0x0  }
0x45: {  	s20 =	sor.u32 $0x4F00, s20;
	[sflag:s17] =	ssyncadd.s32 $0xFFFFF000  }
0x46: {  	[spmem:s2] =	stream.indirect.scatter.add.f32 [tilespmem:s20], [sflag:$0x2], $0x20, s18, s14, $0xb8;
	[tilespmem:$0xBE00] =	vst v63  }
0x47: {  	_ =	swait.ge [sflag:s17], $0x1000  }
0x48: {  	s19 =	sadd.s32 $0x1, s19;
	[sflag:s17] =	ssyncset.done $0x0  }
0x49: {  	p0 =	sne.s32 s19, s10;
	[sflag:s17] =	ssyncadd.s32 $0xFFFFF000  }
.Ltmp1:
0x4a: {  	[bflag:$0x0] =	sbarrier.arrive $0xFFFF;
	(pc) =	sbr.rel @p0 .LBB2_1-.Ltmp1, $4  }
0x4b: {  	[hbm:s9], [sflag:s6] =	dma.local [spmem:s11], $0x9E0  }
0x4c: {  	_ =	swait.ge [sflag:s12], $0x9E0  }
0x4d: {  	[sflag:s12] =	ssyncset.done $0x0  }
0x4e: {  	[sflag:s12] =	ssyncadd.s32 $0xFFFFF620  }
0x4f: {  	_ =	sfence.sel $0x180000  }
0x50: {  	[bflag:$0x0] =	sbarrier.arrive $0xFFFF  }
0x51: {  	p0 =	sne.s32 s0, $0x0;
	_ =	strace $0x9000004D  }
0x52: {  	s0 =	sadd.s32 @!p0 $0x100000, s1;
	[bflag:$0x2] =	sbarrier.arrive $0xFFFF  }
0x53: {  	[sflag:s0] =	ssyncadd.tile.s32 @!p0 $0x1;
	_ =	shalt  }
.Lfunc_end2:
_tile_overlayer_lowered:
.L_overlay_start_2:
0x54: {  	(tag) =	ssettag $0x2  }
0x55: {  	s0 =	rddreg [dreg:$0x0];
	s2 =	stileid.u32  }
0x56: {  	s1 =	rddreg [dreg:$0x1];
	p0 =	sne.s32 s2, $0x0  }
0x57: {  	s3 =	rddreg [dreg:$0x2];
	[bflag:$0x3] =	sbarrier.arrive $0xFFFF;
	s2 =	simm.s32 @!p0 $0x1C03  }
0x58: {  	[timem:s3], [sflag:s2] =	dma.local @!p0 [hbm:s0], s1  }
0x59: {  	s0 =	simm.s32 @!p0 $0x3  }
0x5a: {  	_ =	swait.ge @!p0 [sflag:s0], s1  }
0x5b: {  	s1 =	ssub.s32 @!p0 $0x0, s1;
	[sflag:s0] =	ssyncset.done @!p0 $0x0  }
0x5c: {  	[sflag:s0] =	ssyncadd.s32 @!p0 s1  }
0x5d: {  	[bflag:$0x3] =	sbarrier.arrive $0xFFFF  }
0x5e: {  	_ =	shalt  }

// kernel: kernel.9.cloned.1.call-start
scs
__scs_entry_jumppad:
0x0: {  	(pc) =	sbr.rel $0x88, $3  }
0x1: {  	(tag) =	ssettag $0x0;
	lr =	simm.s32 $0x1  }
0x2: {  	[smem:$0x3F9B] =	sst lr;
	_ =	strace $0xD0000000  }
0x3: {  	_ = 	snop  }
0x4: {  	_ = 	snop  }
0x5: {  	_ = 	snop  }
0x6: {  	_ = 	snop  }
0x7: {  	_ = 	snop  }
__scs_overlays_trampoline_lowered:
0x8: {  	[smem:$0x3FAA] =	sst s0  }
0x9: {  	[smem:$0x3FAB] =	sst s1  }
0xa: {  	[smem:$0x3FAC] =	sst s2  }
0xb: {  	[smem:$0x3FAD] =	sst s3  }
0xc: {  	[smem:$0x3FAE] =	sst s4  }
0xd: {  	[smem:$0x3FAF] =	sst s5  }
0xe: {  	[smem:$0x3FB0] =	sst s6  }
0xf: {  	[smem:$0x3FB1] =	sst s7  }
0x10: {  	[smem:$0x3FB2] =	sst s8  }
0x11: {  	[smem:$0x3FB3] =	sst s9;
	s0 =	simm.s32 @!p0 $0x0  }
0x12: {  	s1 =	sld [smem:$0x3F99];
	s0 =	simm.s32 @p0 $0x1  }
0x13: {  	[smem:$0x3FB4] =	sst s0;
	s0 =	simm.s32 @!p1 $0x0  }
0x14: {  	s2 =	sld [smem:$0x3F98];
	s0 =	simm.s32 @p1 $0x1  }
0x15: {  	[smem:$0x3FB5] =	sst s0;
	s0 =	simm.s32 @!p2 $0x0  }
0x16: {  	s3 =	sld [smem:$0x3FDB];
	s0 =	simm.s32 @p2 $0x1  }
0x17: {  	s4 =	simm.s32 $0x1BF5;
	[smem:$0x3FB7] =	sst s0  }
0x18: {  	s0 =	sld [smem:$0x3F9A];
	_ =	swait.ge [sflag:s4], $0x0  }
0x19: {  	s7 =	sld [smem:$0x3F9B]  }
0x1a: {  	s8 =	sadd.s32 $0xFFFFE003, lr  }
0x1b: {  	s9 =	sadd.s32 $0xFFFFFEF7, lr;
	s5 =	simm.s32 $0xFFFFFFFF;
	p2 =	slt.u32 s8, $0xFFFFF086  }
0x1c: {  	p1 =	slt.u32 s9, $0xF7A;
	s5 =	simm.s32 @!p2 $0x0  }
0x1d: {  	s5 =	simm.s32 @p1 $0x1;
	p0 =	seq.s32 s7, s2  }
0x1e: {  	s7 =	smul.u32 @!p0 $0xF7A, s2;
	p2 =	seq.s32 @!p0 s5, $0x0  }
0x1f: {  	s9 =	smul.u32 $0xF7A, s1;
	s8 =	simm.s32 @!p0 $0x1BF5;
	p2 =	por !p2, p0  }
0x20: {  	[sflag:s8] =	ssyncset.s32 @!p0 $0xFFFFF086;
	s6 =	sadd.s32 @!p0 s3, s7;
	s7 =	simm.s32 @!p0 $0x108  }
0x21: {  	s3 =	sadd.s32 s3, s9;
	s6 =	sadd.s32 @!p0 $0x88, s6;
	s7 =	simm.s32 @p2 $0x1082  }
0x22: {  	[simem:s7], [sflag:s8] =	dma.local @!p0 [hbm:s6], $0xF7A  }
0x23: {  	s9 =	sor.u32 $0xD0000000, s2;
	s6 =	simm.s32 $0x108;
	_ =	swait.ge @!p0 [sflag:s8], $0x0  }
0x24: {  	s3 =	sadd.s32 $0x88, s3;
	s6 =	simm.s32 @!p1 $0x1082;
	[sflag:s4] =	ssyncset.s32 $0xFFFFF086  }
0x25: {  	[simem:s6], [sflag:s4] =	dma.local [hbm:s3], $0xF7A  }
0x26: {  	[smem:$0x3F9B] =	sst s1;
	(tag) =	ssettag s2;
	_ =	strace s9  }
0x27: {  	s1 =	sld [smem:$0x3FAB]  }
0x28: {  	s2 =	sld [smem:$0x3FAC]  }
0x29: {  	s4 =	sld [smem:$0x3FAE]  }
0x2a: {  	p0 =	seq.s32 s5, $0x0;
	s5 =	sld [smem:$0x3FAF]  }
0x2b: {  	s6 =	sld [smem:$0x3FB0]  }
0x2c: {  	s7 =	sld [smem:$0x3FB1]  }
0x2d: {  	s3 =	simm.s32 $0x108;
	s8 =	sld [smem:$0x3FB2]  }
0x2e: {  	s3 =	simm.s32 @!p0 $0x1082;
	s9 =	sld [smem:$0x3FB3]  }
0x2f: {  	lr =	sadd.s32 s0, s3;
	s0 =	sld [smem:$0x3FAA]  }
0x30: {  	s3 =	sld [smem:$0x3FAD]  }
0x31: {  	[smem:$0x3FB6] =	sst s10  }
0x32: {  	s10 =	sld [smem:$0x3FB4];
	_ =	sdelay $0x3  }
0x33: {  	p0 =	seq.s32 s10, $0x1;
	s10 =	sld [smem:$0x3FB6];
	_ =	sdelay $0x3  }
0x34: {  	[smem:$0x3FB6] =	sst s10  }
0x35: {  	s10 =	sld [smem:$0x3FB5];
	_ =	sdelay $0x3  }
0x36: {  	p1 =	seq.s32 s10, $0x1;
	s10 =	sld [smem:$0x3FB6];
	_ =	sdelay $0x3  }
0x37: {  	[smem:$0x3FB6] =	sst s10  }
0x38: {  	s10 =	sld [smem:$0x3FB7]  }
0x39: {  	_ = 	snop;
	(pc) =	sbr.ind lr, $3  }
0x3a: {  	_ = 	snop  }
0x3b: {  	_ = 	snop  }
0x3c: {  	p2 =	seq.s32 s10, $0x1;
	s10 =	sld [smem:$0x3FB6]  }
0x3d: {  	_ =	shalt  }
0x3e: {  	_ =	shalt  }
0x3f: {  	_ =	shalt  }
0x40: {  	_ =	shalt  }
0x41: {  	_ =	shalt  }
0x42: {  	_ =	shalt  }
0x43: {  	_ =	shalt  }
0x44: {  	_ =	shalt  }
0x45: {  	_ =	shalt  }
0x46: {  	_ =	shalt  }
0x47: {  	_ =	shalt  }
0x48: {  	_ =	shalt  }
0x49: {  	_ =	shalt  }
0x4a: {  	_ =	shalt  }
0x4b: {  	_ =	shalt  }
0x4c: {  	_ =	shalt  }
0x4d: {  	_ =	shalt  }
0x4e: {  	_ =	shalt  }
0x4f: {  	_ =	shalt  }
0x50: {  	_ =	shalt  }
0x51: {  	_ =	shalt  }
0x52: {  	_ =	shalt  }
0x53: {  	_ =	shalt  }
0x54: {  	_ =	shalt  }
0x55: {  	_ =	shalt  }
0x56: {  	_ =	shalt  }
0x57: {  	_ =	shalt  }
0x58: {  	_ =	shalt  }
0x59: {  	_ =	shalt  }
0x5a: {  	_ =	shalt  }
0x5b: {  	_ =	shalt  }
0x5c: {  	_ =	shalt  }
0x5d: {  	_ =	shalt  }
0x5e: {  	_ =	shalt  }
0x5f: {  	_ =	shalt  }
0x60: {  	_ =	shalt  }
0x61: {  	_ =	shalt  }
0x62: {  	_ =	shalt  }
0x63: {  	_ =	shalt  }
0x64: {  	_ =	shalt  }
0x65: {  	_ =	shalt  }
0x66: {  	_ =	shalt  }
0x67: {  	_ =	shalt  }
0x68: {  	_ =	shalt  }
0x69: {  	_ =	shalt  }
0x6a: {  	_ =	shalt  }
0x6b: {  	_ =	shalt  }
0x6c: {  	_ =	shalt  }
0x6d: {  	_ =	shalt  }
0x6e: {  	_ =	shalt  }
0x6f: {  	_ =	shalt  }
0x70: {  	_ =	shalt  }
0x71: {  	_ =	shalt  }
0x72: {  	_ =	shalt  }
0x73: {  	_ =	shalt  }
0x74: {  	_ =	shalt  }
0x75: {  	_ =	shalt  }
0x76: {  	_ =	shalt  }
0x77: {  	_ =	shalt  }
0x78: {  	_ =	shalt  }
0x79: {  	_ =	shalt  }
0x7a: {  	_ =	shalt  }
0x7b: {  	_ =	shalt  }
0x7c: {  	_ =	shalt  }
0x7d: {  	_ =	shalt  }
0x7e: {  	_ =	shalt  }
0x7f: {  	_ =	shalt  }
0x80: {  	_ =	shalt  }
0x81: {  	_ =	shalt  }
0x82: {  	_ =	shalt  }
0x83: {  	_ =	shalt  }
0x84: {  	_ =	shalt  }
0x85: {  	_ =	shalt  }
0x86: {  	_ =	shalt  }
0x87: {  	_ =	shalt  }
.Lfunc_end0:
.L_simem_size_0:
called_computation_lowered:
.L_overlay_start_0:
0x88: {  	s2 =	sld [smem:$0x3FD9]  }
0x89: {  	s3 =	sld [smem:$0x3FFE];
	_ =	sdelay $0x1  }
0x8a: {  	s1 =	srdreg.scid  }
0x8b: {  	s0 =	sand.u32 $0x1, s1  }
0x8c: {  	s17 =	sshll.u32 s0, $0xA;
	s2 =	sadd.s32 s3, s2  }
0x8d: {  	s2 =	sadd.s32 s2, s17  }
0x8e: {  	[smem:$0x3FC2] =	sst s2  }
0x8f: {  	_ = 	snop  }
0x90: {  	s2 =	sld [smem:$0x3FD0];
	(tm) =	ssettm $0x1  }
0x91: {  	s18 =	sld [smem:$0x3FFB];
	_ =	sdelay $0x3  }
0x92: {  	_ =	strace s18  }
0x93: {  	s3 =	sld [smem:$0x3FFC];
	_ =	sdelay $0x3  }
0x94: {  	_ =	strace s3  }
0x95: {  	s3 =	sld [smem:$0x3FFD];
	_ =	sdelay $0x3  }
0x96: {  	_ =	strace s3  }
0x97: {  	_ =	strace $0x8FFFFFFF  }
0x98: {  	s19 =	sld [smem:$0x3FDB];
	_ =	sdelay $0x1  }
0x99: {  	s4 =	simm.s32 $_scs_section_size  }
0x9a: {  	s5 =	simm.s32 $_size__tile_overlayer_lowered;
	s6 =	simm.s32 $_tile_overlayer_lowered  }
0x9b: {  	s22 =	simm.s32 $0x1BFF;
	s21 =	sshll.u32 s6, $0x1;
	s3 =	sadd.s32 s4, s19  }
0x9c: {  	s7 =	simm.s32 $0x0;
	s20 =	sshll.u32 s5, $0x1;
	s5 =	sadd.s32 s21, s3  }
0x9d: {  	[timem:s7], [sflag:s22] =	dma.local [hbm:s5], s20  }
0x9e: {  	_ =	swait.ge [sflag:s22], s20  }
0x9f: {  	s4 =	ssub.s32 $0x0, s20;
	[sflag:s22] =	ssyncset.done $0x0  }
0xa0: {  	[sflag:s22] =	ssyncadd.s32 s4;
	_ =	sdelay $0x1  }
0xa1: {  	s23 =	simm.s32 $0x1B8B  }
0xa2: {  	_ =	swait.ge [sflag:s23], $0x1  }
0xa3: {  	[sflag:s23] =	ssyncset.done $0x0  }
0xa4: {  	s25 =	simm.s32 $0x1B8E;
	s24 =	sld [smem:$0x3FFE];
	[sflag:s23] =	ssyncadd.s32 $0xFFFFFFFF  }
0xa5: {  	s26 =	simm.s32 $execute0_lowered;
	[smem:$0x3FD2] =	sst s25  }
0xa6: {  	s5 =	sshll.u32 s26, $0x1;
	_ =	strace $0x80000046;
	[dreg:$0x1] =	wrdreg $0xFFFFFFFF  }
0xa7: {  	s28 =	simm.s32 $_size_execute0_lowered;
	s3 =	sadd.s32 s3, s5;
	[dreg:$0x0] =	wrdreg $0x0  }
0xa8: {  	s5 =	sshll.u32 s28, $0x1;
	[dreg:$0x2] =	wrdreg s3  }
0xa9: {  	[dreg:$0x3] =	wrdreg s5  }
0xaa: {  	[dreg:$0x4] =	wrdreg $0xC0  }
0xab: {  	_ =	task [dreg:s7], $0x5FFFF  }
0xac: {  	[dreg:$0x1] =	wrdreg $0xFFFFFFFF  }
0xad: {  	[dreg:$0x0] =	wrdreg $0x60  }
0xae: {  	[dreg:$0x2] =	wrdreg s2  }
0xaf: {  	[dreg:$0x3] =	wrdreg s24  }
0xb0: {  	[dreg:$0x4] =	wrdreg $0x2F800  }
0xb1: {  	[dreg:$0x5] =	wrdreg $0x9  }
0xb2: {  	_ =	task.clear_ibuf [dreg:s7], $0x6FFFF;
	_ =	strace $0x90000046  }
0xb3: {  	s29 =	simm.s32 $0x9;
	_ =	strace $0x80000048  }
0xb4: {  	_ =	swait.ge [sflag:s29], $0x1  }
0xb5: {  	[sflag:s29] =	ssyncadd.s32 $0xFFFFFFFF  }
0xb6: {  	_ =	strace $0x90000048  }
0xb7: {  	_ =	sfence  }
0xb8: {  	s30 =	sld [smem:$0x0];
	_ =	sdelay $0x2  }
0xb9: {  	s31 =	sshll.u32 s1, $0xD;
	s1 =	sshrl.u32 s1, $0x2  }
0xba: {  	s3 =	sand.u32 $0x4000, s31;
	s1 =	sadd.s32 s1, s30  }
0xbb: {  	s0 =	sor.u32 s3, s0;
	s1 =	sshll.u32 s1, $0x11  }
0xbc: {  	s0 =	sor.u32 s1, s0  }
0xbd: {  	s0 =	sadd.s32 $0x8F2B, s0  }
0xbe: {  	[sflag:s0] =	ssyncadd.remote.s32 $0x1  }
0xbf: {  	_ =	sfence.sel $0xFFFF  }
0xc0: {  	[dreg:$0x0] =	wrdreg $0xFFFFFFFF;
	(pc) =	sbr.abs _section_cstart, $3  }
0xc1: {  	[dreg:$0x1] =	wrdreg $0xFFFFFFFF  }
0xc2: {  	_ =	task.clear_ibuf [dreg:s7], $0x2FFFF;
	_ =	strace $0x9FFFFFFF  }
0xc3: {  	(tm) =	ssettm $0x7FFFFFFF  }
tec
execute0_lowered:
.L_overlay_start_1:
0x0: {  	(tag) =	ssettag $0x1  }
0x1: {  	s7 =	rddreg [dreg:$0x0]  }
0x2: {  	s6 =	rddreg [dreg:$0x1]  }
0x3: {  	s2 =	rddreg [dreg:$0x2]  }
0x4: {  	s0 =	rddreg [dreg:$0x3]  }
0x5: {  	s4 =	srdreg.scid;
	s1 =	stileid.u32;
	s3 =	simm.s32 $0x0  }
0x6: {  	s14 =	simm.s32 $0x0;
	s8 =	sand.u32 $0x1, s4;
	s9 =	smul.u32 $0x2780, s1  }
0x7: {  	[smem:$0x7FF] =	sst s3;
	s4 =	sadd.s32 $0x2000, s6;
	s5 =	sadd.s32 $0x2600, s6  }
0x8: {  	s31 =	sshll.u32 s1, $0x6;
	s10 =	smul.u32 $0x27800, s8;
	s11 =	sshll.u32 s8, $0x4  }
0x9: {  	_ =	strace $0x80000047;
	s8 =	ssub.s32 $0x2, s8;
	s11 =	sor.u32 s1, s11  }
0xa: {  	s30 =	sshrl.u32 s8, $0x1;
	s13 =	sadd.s32 s9, s2;
	s10 =	sadd.s32 s9, s10  }
0xb: {  	s11 =	smul.u32 $0x4F0, s11;
	s12 =	ssub.s32 s8, s30;
	s10 =	sshrl.u32 s10, $0x3  }
0xc: {  	s9 =	smax.u32 s12, $0x1;
	s12 =	simm.s32 $0x2780;
	s10 =	sadd.s32 s10, s6  }
0xd: {  	s6 =	sor.u32 $0x1C01, s31;
	s7 =	sadd.s32 s7, s11;
	s11 =	simm.s32 $0x1  }
0xe: {  	s8 =	sadd.s32 $0x2800, s10;
	s10 =	sshrl.u32 s13, $0x3;
	s13 =	simm.s32 $0x80  }
.LBB2_1:
0xf: {  	[spmem:s10], [sflag:s6] =	dma.local [hbm:s4], $0x4F0  }
0x10: {  	_ =	swait.ge [sflag:s11], $0x4F0  }
0x11: {  	[sflag:s11] =	ssyncset.done $0x0  }
0x12: {  	[sflag:s11] =	ssyncadd.s32 $0xFFFFFB10  }
0x13: {  	[tilespmem:s12], [sflag:$0x1] =	stream.linear.gather [hbm4b:s5+s3], $0x800, $0x38;
	[tilespmem:$0x5700] =	vst v63  }
0x14: {  	_ =	swait.ge [sflag:s11], $0x800  }
0x15: {  	[sflag:s11] =	ssyncset.done $0x0  }
0x16: {  	[sflag:s11] =	ssyncadd.s32 $0xFFFFF800  }
0x17: {  	[tilespmem:s3], [sflag:$0x1] =	stream.linear.gather [hbm4b:s7+s3], $0x2780, $0x38;
	[tilespmem:$0x5700] =	vst v63  }
0x18: {  	_ =	swait.ge [sflag:s11], $0x2780  }
0x19: {  	[sflag:s11] =	ssyncset.done $0x0  }
0x1a: {  	[sflag:s11] =	ssyncadd.s32 $0xFFFFD880  }
0x1b: {  	s15 =	simm.s32 $0x0;
	[bflag:$0x0] =	sbarrier.arrive $0xFFFF  }
0x1c: {  	[spmem:s2] =	stream.indirect.scatter.add.f32 [tilespmem:s12], [sflag:$0x1], $0x10, s15, s13, $0xb8;
	[tilespmem:$0x5700] =	vst v63  }
0x1d: {  	_ =	swait.ge [sflag:s11], $0x800  }
0x1e: {  	s15 =	simm.s32 $0x200;
	[sflag:s11] =	ssyncset.done $0x0  }
.LBB2_2:
0x1f: {  	s16 =	sshra.s32 s15, $0x2;
	[sflag:s11] =	ssyncadd.s32 $0xFFFFF800;
	p0 =	sne.s32 s15, $0x9C00  }
0x20: {  	[spmem:s2] =	stream.indirect.scatter.add.f32 [tilespmem:s12], [sflag:$0x1], $0x10, s16, s13, $0xb8;
	[tilespmem:$0x5700] =	vst v63  }
.Ltmp0:
0x21: {  	_ = 	snop;
	(pc) =	sbr.rel @p0 .LBB2_2-.Ltmp0, $4  }
0x22: {  	_ = 	snop  }
0x23: {  	s15 =	sadd.s32 $0x200, s15  }
0x24: {  	_ =	swait.ge [sflag:s11], $0x800  }
0x25: {  	[sflag:s11] =	ssyncset.done $0x0  }
0x26: {  	s14 =	sadd.s32 $0x1, s14  }
0x27: {  	[sflag:s11] =	ssyncadd.s32 $0xFFFFF800;
	p0 =	sne.s32 s14, s9  }
.Ltmp1:
0x28: {  	[bflag:$0x0] =	sbarrier.arrive $0xFFFF;
	(pc) =	sbr.rel @p0 .LBB2_1-.Ltmp1, $4  }
0x29: {  	[hbm:s8], [sflag:s6] =	dma.local [spmem:s10], $0x4F0  }
0x2a: {  	_ =	swait.ge [sflag:s11], $0x4F0  }
0x2b: {  	[sflag:s11] =	ssyncset.done $0x0  }
0x2c: {  	[sflag:s11] =	ssyncadd.s32 $0xFFFFFB10  }
0x2d: {  	_ =	sfence.sel $0x180000  }
0x2e: {  	[bflag:$0x0] =	sbarrier.arrive $0xFFFF  }
0x2f: {  	p0 =	sne.s32 s1, $0x0;
	_ =	strace $0x90000047  }
0x30: {  	s0 =	sadd.s32 @!p0 $0x100000, s0;
	[bflag:$0x2] =	sbarrier.arrive $0xFFFF  }
0x31: {  	[sflag:s0] =	ssyncadd.tile.s32 @!p0 $0x1;
	_ =	shalt  }
.Lfunc_end2:
_tile_overlayer_lowered:
.L_overlay_start_2:
0x32: {  	(tag) =	ssettag $0x2  }
0x33: {  	s0 =	rddreg [dreg:$0x0];
	s2 =	stileid.u32  }
0x34: {  	s1 =	rddreg [dreg:$0x1];
	p0 =	sne.s32 s2, $0x0  }
0x35: {  	s3 =	rddreg [dreg:$0x2];
	[bflag:$0x3] =	sbarrier.arrive $0xFFFF;
	s2 =	simm.s32 @!p0 $0x1C01  }
0x36: {  	[timem:s3], [sflag:s2] =	dma.local @!p0 [hbm:s0], s1  }
0x37: {  	s0 =	simm.s32 @!p0 $0x1  }
0x38: {  	_ =	swait.ge @!p0 [sflag:s0], s1  }
0x39: {  	s1 =	ssub.s32 @!p0 $0x0, s1;
	[sflag:s0] =	ssyncset.done @!p0 $0x0  }
0x3a: {  	[sflag:s0] =	ssyncadd.s32 @!p0 s1  }
0x3b: {  	[bflag:$0x3] =	sbarrier.arrive $0xFFFF  }
0x3c: {  	_ =	shalt  }

</sc_bundles>
